<compile_context>
chip_gen: v7x
topology: tpu7x:2x2x1
jax: 0.10.2.dev20260603
libtpu: 0.0.44.dev20260713+nightly
codegen_flags: <defaults>
</compile_context>

<pallas_src>
import functools

import jax
import jax.numpy as jnp
import numpy as np
from jax import lax
from jax.experimental import pallas as pl
from jax.experimental.pallas import tpu as pltpu
from jax.experimental.pallas import tpu_sc as plsc

_CLS_COUNTS = [5000 // (i + 1) for i in range(100)]
_MAX_M = 0.5
_SCALE = 30.0

_B = 16384
_C = 100
_NW = 32
_TCB = 2048
_TCN = 6
_SCBASE = _TCN * _TCB
_RPW = (_B - _SCBASE) // _NW

_LN2 = 0.6931471805599453


def _margin_np():
    m = 1.0 / np.sqrt(np.sqrt(np.array(_CLS_COUNTS, dtype=np.float64)))
    m = m * (_MAX_M / np.max(m))
    return m.astype(np.float32)


def _margin_sc():
    out = np.zeros((112,), np.float32)
    out[:_C] = _margin_np()
    return jnp.asarray(out)


def _margin_tc():
    out = np.zeros((1, 128), np.float32)
    out[0, :_C] = _margin_np()
    return jnp.asarray(out)


def _tc_body(x_ref, t_ref, w_ref, m_ref, o_ref):
    sc = jnp.float32(_SCALE)
    xm = x_ref[...]
    tt = t_ref[...].reshape(_TCB, 1)
    wt = w_ref[...].reshape(_TCB, 1)
    mx = jnp.max(xm, axis=1, keepdims=True)
    se = jnp.sum(jnp.exp(sc * xm - sc * mx), axis=1, keepdims=True)
    cols = lax.broadcasted_iota(jnp.int32, (_TCB, _C), 1)
    hit = cols == tt
    pk = jnp.sum(jnp.where(hit, xm, jnp.float32(0.0)),
                 axis=1, keepdims=True)
    mrow = jnp.broadcast_to(m_ref[...][:, :_C], (_TCB, _C))
    mg = jnp.sum(jnp.where(hit, mrow, jnp.float32(0.0)),
                 axis=1, keepdims=True)
    ps = sc * pk
    mh = sc * mx
    sp = se - jnp.exp(ps - mh) + jnp.exp(ps - sc * mg - mh)
    ce = mh + jnp.log(sp) - ps + sc * mg
    o_ref[...] = (ce * wt).reshape(1, 16, 128)


def _tc_stage(x, t1, w1, m2):
    return pl.pallas_call(
        _tc_body,
        grid=(_TCN,),
        in_specs=[pl.BlockSpec((_TCB, _C), lambda i: (i, 0)),
                  pl.BlockSpec((1, 1, _TCB), lambda i: (i, 0, 0)),
                  pl.BlockSpec((1, 1, _TCB), lambda i: (i, 0, 0)),
                  pl.BlockSpec((1, 128), lambda i: (0, 0))],
        out_specs=pl.BlockSpec((1, 16, 128), lambda i: (i, 0, 0)),
        out_shape=jax.ShapeDtypeStruct((_TCN, 16, 128), jnp.float32),
    )(x, t1, w1, m2)


def _sum_body(cw_ref, p_ref, o_ref):
    o_ref[0, 0] = ((jnp.sum(cw_ref[...]) + jnp.sum(p_ref[...]))
                   * jnp.float32(1.0 / _B))


def _final_sum(cw, partials):
    out = pl.pallas_call(
        _sum_body,
        out_shape=jax.ShapeDtypeStruct((1, 1), jnp.float32),
        out_specs=pl.BlockSpec(memory_space=pltpu.SMEM),
    )(cw, partials.reshape(4, 128))
    return out[0, 0]


def _vlog(x):
    bits = lax.bitcast_convert_type(x, jnp.int32)
    e = lax.shift_right_logical(bits, 23) - 127
    mant = lax.bitcast_convert_type(
        jnp.bitwise_or(jnp.bitwise_and(bits, 0x007FFFFF), 0x3F800000),
        jnp.float32)
    big = mant > jnp.float32(1.4142135)
    mant = jnp.where(big, mant * jnp.float32(0.5), mant)
    e = e + jnp.where(big, 1, 0)
    t = (mant - jnp.float32(1.0)) / (mant + jnp.float32(1.0))
    t2 = t * t
    p = jnp.float32(2.0) + t2 * (
        jnp.float32(2.0 / 3.0) + t2 * (
            jnp.float32(2.0 / 5.0) + t2 * (
                jnp.float32(2.0 / 7.0) + t2 * jnp.float32(2.0 / 9.0))))
    return e.astype(jnp.float32) * jnp.float32(_LN2) + t * p


def _sc_body(x_hbm, t_hbm, w_hbm, m_hbm, out_hbm,
             x_v, t_v, w_v, m_v, mh_v, s_v, acc_v):
    c = lax.axis_index("c")
    s = lax.axis_index("s")
    wid = s * 2 + c
    rbase = _SCBASE + wid * _RPW

    pltpu.sync_copy(x_hbm.at[pl.ds(rbase, _RPW)], x_v)
    pltpu.sync_copy(t_hbm.at[pl.ds(rbase, _RPW)], t_v)
    pltpu.sync_copy(w_hbm.at[pl.ds(rbase, _RPW)], w_v)
    pltpu.sync_copy(m_hbm, m_v)

    lane = lax.iota(jnp.int32, 16)
    tail_ok = lane >= 12
    lane0 = lane == 0
    last = jnp.full((16,), 15, jnp.int32)
    sc = jnp.float32(_SCALE)

    def row(i):
        ch = [x_v[i, pl.ds(16 * k, 16)] for k in range(6)]
        c6 = x_v[i, pl.ds(84, 16)]
        ch.append(jnp.where(tail_ok, c6, jnp.float32(-1e30)))
        m01 = jnp.maximum(ch[0], ch[1])
        m23 = jnp.maximum(ch[2], ch[3])
        m45 = jnp.maximum(ch[4], ch[5])
        mall = jnp.maximum(jnp.maximum(m01, m23), jnp.maximum(m45, ch[6]))
        mh = sc * plsc.cummax(mall).at[last].get(mode="promise_in_bounds")
        es = [jnp.exp(sc * v - mh) for v in ch]
        t01 = es[0] + es[1]
        t23 = es[2] + es[3]
        t45 = es[4] + es[5]
        tall = (t01 + t23) + (t45 + es[6])
        ssum = plsc.cumsum(tall)
        plsc.store_compressed(mh_v.at[pl.ds(i, 16)], mh, mask=lane0)
        plsc.store_compressed(s_v.at[pl.ds(i, 16)], ssum, mask=lane == 15)

    def row_loop(j, carry):
        for u in range(4):
            row(j * 4 + u)
        return carry

    lax.fori_loop(0, _RPW // 4, row_loop, 0)

    def grp(g, acc):
        tv = t_v[pl.ds(g * 16, 16)]
        wv = w_v[pl.ds(g * 16, 16)]
        mhv = mh_v[pl.ds(g * 16, 16)]
        sv = s_v[pl.ds(g * 16, 16)]
        mg = plsc.load_gather(m_v, [tv])
        rows = g * 16 + lane
        picked = plsc.load_gather(x_v, [rows, tv])
        ps = sc * picked
        a = jnp.exp(ps - mhv)
        b = jnp.exp(ps - sc * mg - mhv)
        sp = sv - a + b
        ce = mhv + _vlog(sp) - ps + sc * mg
        return acc + ce * wv

    acc = lax.fori_loop(0, _RPW // 16, grp, jnp.zeros((16,), jnp.float32))
    acc_v[...] = acc
    pltpu.sync_copy(acc_v, out_hbm.at[pl.ds(wid * 16, 16)])


_sc_stage = functools.partial(
    pl.kernel,
    out_type=jax.ShapeDtypeStruct((_NW * 16,), jnp.float32),
    mesh=plsc.VectorSubcoreMesh(core_axis_name="c", subcore_axis_name="s"),
    compiler_params=pltpu.CompilerParams(needs_layout_passes=False),
    scratch_types=[
        pltpu.VMEM((_RPW, _C), jnp.float32),
        pltpu.VMEM((_RPW,), jnp.int32),
        pltpu.VMEM((_RPW,), jnp.float32),
        pltpu.VMEM((112,), jnp.float32),
        pltpu.VMEM((_RPW + 16,), jnp.float32),
        pltpu.VMEM((_RPW + 16,), jnp.float32),
        pltpu.VMEM((16,), jnp.float32),
    ],
)(_sc_body)


@jax.jit
def kernel(x, target, instance_weights):
    partials = _sc_stage(x, target, instance_weights, _margin_sc())
    t3 = target.reshape(8, 1, _TCB)
    w3 = instance_weights.reshape(8, 1, _TCB)
    cw = _tc_stage(x, t3, w3, _margin_tc())
    return _final_sum(cw, partials)

# --- scband reference (transcript-rebuilt; emitter-appended) ---
"""Pipeline reference for scband-ldamloss-instance-weight-12189117186620 (READ-ONLY COPY).

The authoritative reference and input builder live on the scoring server;
editing this copy changes nothing except your own understanding.
"""

import jax, jax.numpy as jnp
import numpy as np

CLS_NUM_LIST = [5000 // (i + 1) for i in range(100)]
MAX_M = 0.5
S = 30.0


def setup_inputs(seed: int = 0) -> dict:
    key = jax.random.key(seed)
    k1, k2, k3 = jax.random.split(key, 3)
    B, C = 16384, 100
    x = jax.random.normal(k1, (B, C), dtype=jnp.float32)
    target = jax.random.randint(k2, (B,), 0, C, dtype=jnp.int32)
    instance_weights = jax.random.uniform(k3, (B,), dtype=jnp.float32)
    return {"x": x, "target": target, "instance_weights": instance_weights}


def reference(x, target, instance_weights):
    # LDAM margin vector (buffer derived from class counts)
    m_np = 1.0 / np.sqrt(np.sqrt(np.array(CLS_NUM_LIST, dtype=np.float64)))
    m_np = m_np * (MAX_M / np.max(m_np))
    m_list = jnp.asarray(m_np, dtype=jnp.float32)

    C = x.shape[1]
    # index = one-hot scatter of targets (uint8 in torch; float mask here)
    index_float = jax.nn.one_hot(target, C, dtype=jnp.float32)
    # batch_m = m_list @ index_float.T -> per-sample margin of its target class
    batch_m = jnp.matmul(m_list[None, :], index_float.T).reshape(-1, 1)
    x_m = x - batch_m
    output = jnp.where(index_float > 0, x_m, x)
    logits = S * output
    # cross entropy with reduction='none' (weight=None)
    lse = jax.scipy.special.logsumexp(logits, axis=1)
    picked = jnp.take_along_axis(logits, target[:, None], axis=1)[:, 0]
    ce = lse - picked
    # instance weighting then mean reduction
    loss = ce * instance_weights
    return jnp.mean(loss)

if __name__ == "__main__":
    import jax
    _d = setup_inputs()
    print(jax.jit(kernel)(*tuple(_d.values())))

</pallas_src>

<mosaic_0001>
#map = affine_map<(d0, d1) -> (0, 0)>
#map1 = affine_map<(d0, d1) -> (0)>
module attributes {stable_mosaic.version = 14 : i64} {
  func.func @_sc_body(%arg0: i32, %arg1: i32, %arg2: memref<16384x100xf32, #tpu.memory_space<hbm>>, %arg3: memref<16384xi32, #tpu.memory_space<hbm>>, %arg4: memref<16384xf32, #tpu.memory_space<hbm>>, %arg5: memref<112xf32, #tpu.memory_space<hbm>>, %arg6: memref<512xf32, #tpu.memory_space<hbm>>, %arg7: memref<128x100xf32, #tpu.memory_space<vmem>>, %arg8: memref<128xi32, #tpu.memory_space<vmem>>, %arg9: memref<128xf32, #tpu.memory_space<vmem>>, %arg10: memref<112xf32, #tpu.memory_space<vmem>>, %arg11: memref<144xf32, #tpu.memory_space<vmem>>, %arg12: memref<144xf32, #tpu.memory_space<vmem>>, %arg13: memref<16xf32, #tpu.memory_space<vmem>>) attributes {dimension_semantics = [#tpu.dimension_semantics<core_parallel>, #tpu.dimension_semantics<subcore_parallel>], iteration_bounds = array<i64: 2, 16>, scalar_prefetch = 0 : i64, scratch_operands = 7 : i64, tpu.core_type = #tpu.core_type<sc_vector_subcore>, window_params = [{transform_indices = #map}, {transform_indices = #map1}, {transform_indices = #map1}, {transform_indices = #map1}, {transform_indices = #map1}]} {
    %mul3A = arith.constant 2 : i32
    %mul3A_0 = arith.muli %arg1, %mul3A : i32
    %add3A = arith.addi %mul3A_0, %arg0 : i32
    %mul3A_1 = arith.constant 128 : i32
    %mul3A_2 = arith.muli %add3A, %mul3A_1 : i32
    %add3A_3 = arith.constant 12288 : i32
    %add3A_4 = arith.addi %add3A_3, %mul3A_2 : i32
    "tpu.region"() ({
      %run_scoped3A = tpu.sem_alloc : memref<!tpu.dma_semaphore, #tpu.memory_space<semaphore_mem>>
      %dma_start3A = arith.constant 0 : i32
      %dma_start3A_28 = tpu.memref_slice %arg2[%add3A_4, %dma_start3A] : memref<16384x100xf32, #tpu.memory_space<hbm>> -> memref<128x100xf32, #tpu.memory_space<hbm>>
      %dma_start3A_29 = arith.constant 0 : i32
      %dma_start3A_30 = tpu.memref_slice %arg2[%add3A_4, %dma_start3A_29] : memref<16384x100xf32, #tpu.memory_space<hbm>> -> memref<128x100xf32, #tpu.memory_space<hbm>>
      tpu.enqueue_dma source(%dma_start3A_30 : memref<128x100xf32, #tpu.memory_space<hbm>>) target(%arg7 : memref<128x100xf32, #tpu.memory_space<vmem>>) target_semaphore(%run_scoped3A : memref<!tpu.dma_semaphore, #tpu.memory_space<semaphore_mem>>)
      %dma_wait3A = arith.constant 0 : i32
      %dma_wait3A_31 = tpu.memref_slice %arg2[%add3A_4, %dma_wait3A] : memref<16384x100xf32, #tpu.memory_space<hbm>> -> memref<128x100xf32, #tpu.memory_space<hbm>>
      %dma_wait3A_32 = arith.constant 0 : i32
      %dma_wait3A_33 = tpu.memref_slice %arg2[%add3A_4, %dma_wait3A_32] : memref<16384x100xf32, #tpu.memory_space<hbm>> -> memref<128x100xf32, #tpu.memory_space<hbm>>
      tpu.wait_dma2 semaphore(%run_scoped3A : memref<!tpu.dma_semaphore, #tpu.memory_space<semaphore_mem>>) src(%dma_wait3A_33 : memref<128x100xf32, #tpu.memory_space<hbm>>) dst(%arg7 : memref<128x100xf32, #tpu.memory_space<vmem>>)
      tpu.yield
    }) : () -> ()
    "tpu.region"() ({
      %run_scoped3A = tpu.sem_alloc : memref<!tpu.dma_semaphore, #tpu.memory_space<semaphore_mem>>
      %dma_start3A = tpu.memref_slice %arg3[%add3A_4] : memref<16384xi32, #tpu.memory_space<hbm>> -> memref<128xi32, #tpu.memory_space<hbm>>
      %dma_start3A_28 = tpu.memref_slice %arg3[%add3A_4] : memref<16384xi32, #tpu.memory_space<hbm>> -> memref<128xi32, #tpu.memory_space<hbm>>
      tpu.enqueue_dma source(%dma_start3A_28 : memref<128xi32, #tpu.memory_space<hbm>>) target(%arg8 : memref<128xi32, #tpu.memory_space<vmem>>) target_semaphore(%run_scoped3A : memref<!tpu.dma_semaphore, #tpu.memory_space<semaphore_mem>>)
      %dma_wait3A = tpu.memref_slice %arg3[%add3A_4] : memref<16384xi32, #tpu.memory_space<hbm>> -> memref<128xi32, #tpu.memory_space<hbm>>
      %dma_wait3A_29 = tpu.memref_slice %arg3[%add3A_4] : memref<16384xi32, #tpu.memory_space<hbm>> -> memref<128xi32, #tpu.memory_space<hbm>>
      tpu.wait_dma2 semaphore(%run_scoped3A : memref<!tpu.dma_semaphore, #tpu.memory_space<semaphore_mem>>) src(%dma_wait3A_29 : memref<128xi32, #tpu.memory_space<hbm>>) dst(%arg8 : memref<128xi32, #tpu.memory_space<vmem>>)
      tpu.yield
    }) : () -> ()
    "tpu.region"() ({
      %run_scoped3A = tpu.sem_alloc : memref<!tpu.dma_semaphore, #tpu.memory_space<semaphore_mem>>
      %dma_start3A = tpu.memref_slice %arg4[%add3A_4] : memref<16384xf32, #tpu.memory_space<hbm>> -> memref<128xf32, #tpu.memory_space<hbm>>
      %dma_start3A_28 = tpu.memref_slice %arg4[%add3A_4] : memref<16384xf32, #tpu.memory_space<hbm>> -> memref<128xf32, #tpu.memory_space<hbm>>
      tpu.enqueue_dma source(%dma_start3A_28 : memref<128xf32, #tpu.memory_space<hbm>>) target(%arg9 : memref<128xf32, #tpu.memory_space<vmem>>) target_semaphore(%run_scoped3A : memref<!tpu.dma_semaphore, #tpu.memory_space<semaphore_mem>>)
      %dma_wait3A = tpu.memref_slice %arg4[%add3A_4] : memref<16384xf32, #tpu.memory_space<hbm>> -> memref<128xf32, #tpu.memory_space<hbm>>
      %dma_wait3A_29 = tpu.memref_slice %arg4[%add3A_4] : memref<16384xf32, #tpu.memory_space<hbm>> -> memref<128xf32, #tpu.memory_space<hbm>>
      tpu.wait_dma2 semaphore(%run_scoped3A : memref<!tpu.dma_semaphore, #tpu.memory_space<semaphore_mem>>) src(%dma_wait3A_29 : memref<128xf32, #tpu.memory_space<hbm>>) dst(%arg9 : memref<128xf32, #tpu.memory_space<vmem>>)
      tpu.yield
    }) : () -> ()
    "tpu.region"() ({
      %run_scoped3A = tpu.sem_alloc : memref<!tpu.dma_semaphore, #tpu.memory_space<semaphore_mem>>
      tpu.enqueue_dma source(%arg5 : memref<112xf32, #tpu.memory_space<hbm>>) target(%arg10 : memref<112xf32, #tpu.memory_space<vmem>>) target_semaphore(%run_scoped3A : memref<!tpu.dma_semaphore, #tpu.memory_space<semaphore_mem>>)
      tpu.wait_dma2 semaphore(%run_scoped3A : memref<!tpu.dma_semaphore, #tpu.memory_space<semaphore_mem>>) src(%arg5 : memref<112xf32, #tpu.memory_space<hbm>>) dst(%arg10 : memref<112xf32, #tpu.memory_space<vmem>>)
      tpu.yield
    }) : () -> ()
    %iota3A = tpu.iota {dimensions = array<i32: 0>} : vector<16xi32>
    %ge3A = arith.constant 12 : i32
    %ge3A_5 = vector.broadcast %ge3A : i32 to vector<16xi32>
    %ge3A_6 = arith.cmpi sge, %iota3A, %ge3A_5 : vector<16xi32>
    %eq3A = arith.constant 0 : i32
    %eq3A_7 = vector.broadcast %eq3A : i32 to vector<16xi32>
    %eq3A_8 = arith.cmpi eq, %iota3A, %eq3A_7 : vector<16xi32>
    %broadcast_in_dim3A = arith.constant 15 : i32
    %broadcast_in_dim3A_9 = vector.broadcast %broadcast_in_dim3A : i32 to vector<16xi32>
    %scan3A = arith.constant 0 : i32
    %scan3A_10 = arith.constant 3.000000e+01 : f32
    %scan3A_11 = arith.constant 0 : i32
    %scan3A_12 = arith.constant 32 : i32
    %scan3A_13 = arith.addi %scan3A_11, %scan3A_12 : i32
    %scan3A_14 = arith.constant 1 : i32
    scf.for %scan3A_28 = %scan3A_11 to %scan3A_13 step %scan3A_14  : i32 {
      %mul3A_29 = arith.constant 4 : i32
      %mul3A_30 = arith.muli %scan3A_28, %mul3A_29 : i32
      %add3A_31 = arith.constant 0 : i32
      %add3A_32 = arith.addi %mul3A_30, %add3A_31 : i32
      %get3A = arith.index_cast %add3A_32 : i32 to index
      %get3A_33 = arith.constant 0 : index
      %get3A_34 = tpu.vector_load %arg7[%get3A, %get3A_33] {strides = array<i32>} : memref<128x100xf32, #tpu.memory_space<vmem>>, vector<16xf32>,
      %get3A_35 = arith.index_cast %add3A_32 : i32 to index
      %get3A_36 = arith.constant 16 : index
      %get3A_37 = tpu.vector_load %arg7[%get3A_35, %get3A_36] {strides = array<i32>} : memref<128x100xf32, #tpu.memory_space<vmem>>, vector<16xf32>,
      %get3A_38 = arith.index_cast %add3A_32 : i32 to index
      %get3A_39 = arith.constant 32 : index
      %get3A_40 = tpu.vector_load %arg7[%get3A_38, %get3A_39] {strides = array<i32>} : memref<128x100xf32, #tpu.memory_space<vmem>>, vector<16xf32>,
      %get3A_41 = arith.index_cast %add3A_32 : i32 to index
      %get3A_42 = arith.constant 48 : index
      %get3A_43 = tpu.vector_load %arg7[%get3A_41, %get3A_42] {strides = array<i32>} : memref<128x100xf32, #tpu.memory_space<vmem>>, vector<16xf32>,
      %get3A_44 = arith.index_cast %add3A_32 : i32 to index
      %get3A_45 = arith.constant 64 : index
      %get3A_46 = tpu.vector_load %arg7[%get3A_44, %get3A_45] {strides = array<i32>} : memref<128x100xf32, #tpu.memory_space<vmem>>, vector<16xf32>,
      %get3A_47 = arith.index_cast %add3A_32 : i32 to index
      %get3A_48 = arith.constant 80 : index
      %get3A_49 = tpu.vector_load %arg7[%get3A_47, %get3A_48] {strides = array<i32>} : memref<128x100xf32, #tpu.memory_space<vmem>>, vector<16xf32>,
      %get3A_50 = arith.index_cast %add3A_32 : i32 to index
      %get3A_51 = arith.constant 84 : index
      %get3A_52 = tpu.vector_load %arg7[%get3A_50, %get3A_51] {strides = array<i32>} : memref<128x100xf32, #tpu.memory_space<vmem>>, vector<16xf32>,
      %jit3A = arith.constant -1.000000e+30 : f32
      %broadcast_in_dim3A_53 = vector.broadcast %jit3A : f32 to vector<16xf32>
      %select_n3A = arith.select %ge3A_6, %get3A_52, %broadcast_in_dim3A_53 : vector<16xi1>, vector<16xf32>
      %max3A = arith.maximumf %get3A_34, %get3A_37 : vector<16xf32>
      %max3A_54 = arith.maximumf %get3A_40, %get3A_43 : vector<16xf32>
      %max3A_55 = arith.maximumf %get3A_46, %get3A_49 : vector<16xf32>
      %max3A_56 = arith.maximumf %max3A, %max3A_54 : vector<16xf32>
      %max3A_57 = arith.maximumf %max3A_55, %select_n3A : vector<16xf32>
      %max3A_58 = arith.maximumf %max3A_56, %max3A_57 : vector<16xf32>
      %broadcast_in_dim3A_59 = arith.constant true
      %broadcast_in_dim3A_60 = vector.broadcast %broadcast_in_dim3A_59 : i1 to vector<16xi1>
      %masked_cummax3A = tpu.scan <max>, %max3A_58 masked %broadcast_in_dim3A_60 : vector<16xf32>, vector<16xi1> -> vector<16xf32>
      %lt3A = arith.constant 0 : i32
      %lt3A_61 = vector.broadcast %lt3A : i32 to vector<16xi32>
      %lt3A_62 = arith.cmpi slt, %broadcast_in_dim3A_9, %lt3A_61 : vector<16xi32>
      %add3A_63 = arith.constant 16 : i32
      %add3A_64 = vector.broadcast %add3A_63 : i32 to vector<16xi32>
      %add3A_65 = arith.addi %broadcast_in_dim3A_9, %add3A_64 : vector<16xi32>
      %select_n3A_66 = arith.select %lt3A_62, %add3A_65, %broadcast_in_dim3A_9 : vector<16xi1>, vector<16xi32>
      %broadcast_in_dim3A_67 = vector.shape_cast %select_n3A_66 : vector<16xi32> to vector<16x1xi32>
      %gather3A = vector.shape_cast %broadcast_in_dim3A_67 : vector<16x1xi32> to vector<16xi32>
      %gather3A_68 = tpu.dynamic_gather %masked_cummax3A[%gather3A] in [0] : vector<16xf32>, vector<16xi32> -> vector<16xf32>
      %mul3A_69 = vector.broadcast %scan3A_10 : f32 to vector<16xf32>
      %mul3A_70 = arith.mulf %mul3A_69, %gather3A_68 : vector<16xf32>
      %mul3A_71 = vector.broadcast %scan3A_10 : f32 to vector<16xf32>
      %mul3A_72 = arith.mulf %mul3A_71, %get3A_34 : vector<16xf32>
      %sub3A = arith.subf %mul3A_72, %mul3A_70 : vector<16xf32>
      %exp3A = math.exp %sub3A : vector<16xf32>
      %mul3A_73 = vector.broadcast %scan3A_10 : f32 to vector<16xf32>
      %mul3A_74 = arith.mulf %mul3A_73, %get3A_37 : vector<16xf32>
      %sub3A_75 = arith.subf %mul3A_74, %mul3A_70 : vector<16xf32>
      %exp3A_76 = math.exp %sub3A_75 : vector<16xf32>
      %mul3A_77 = vector.broadcast %scan3A_10 : f32 to vector<16xf32>
      %mul3A_78 = arith.mulf %mul3A_77, %get3A_40 : vector<16xf32>
      %sub3A_79 = arith.subf %mul3A_78, %mul3A_70 : vector<16xf32>
      %exp3A_80 = math.exp %sub3A_79 : vector<16xf32>
      %mul3A_81 = vector.broadcast %scan3A_10 : f32 to vector<16xf32>
      %mul3A_82 = arith.mulf %mul3A_81, %get3A_43 : vector<16xf32>
      %sub3A_83 = arith.subf %mul3A_82, %mul3A_70 : vector<16xf32>
      %exp3A_84 = math.exp %sub3A_83 : vector<16xf32>
      %mul3A_85 = vector.broadcast %scan3A_10 : f32 to vector<16xf32>
      %mul3A_86 = arith.mulf %mul3A_85, %get3A_46 : vector<16xf32>
      %sub3A_87 = arith.subf %mul3A_86, %mul3A_70 : vector<16xf32>
      %exp3A_88 = math.exp %sub3A_87 : vector<16xf32>
      %mul3A_89 = vector.broadcast %scan3A_10 : f32 to vector<16xf32>
      %mul3A_90 = arith.mulf %mul3A_89, %get3A_49 : vector<16xf32>
      %sub3A_91 = arith.subf %mul3A_90, %mul3A_70 : vector<16xf32>
      %exp3A_92 = math.exp %sub3A_91 : vector<16xf32>
      %mul3A_93 = vector.broadcast %scan3A_10 : f32 to vector<16xf32>
      %mul3A_94 = arith.mulf %mul3A_93, %select_n3A : vector<16xf32>
      %sub3A_95 = arith.subf %mul3A_94, %mul3A_70 : vector<16xf32>
      %exp3A_96 = math.exp %sub3A_95 : vector<16xf32>
      %add3A_97 = arith.addf %exp3A, %exp3A_76 : vector<16xf32>
      %add3A_98 = arith.addf %exp3A_80, %exp3A_84 : vector<16xf32>
      %add3A_99 = arith.addf %exp3A_88, %exp3A_92 : vector<16xf32>
      %add3A_100 = arith.addf %add3A_97, %add3A_98 : vector<16xf32>
      %add3A_101 = arith.addf %add3A_99, %exp3A_96 : vector<16xf32>
      %add3A_102 = arith.addf %add3A_100, %add3A_101 : vector<16xf32>
      %broadcast_in_dim3A_103 = arith.constant true
      %broadcast_in_dim3A_104 = vector.broadcast %broadcast_in_dim3A_103 : i1 to vector<16xi1>
      %masked_cumsum3A = tpu.scan <sum>, %add3A_102 masked %broadcast_in_dim3A_104 : vector<16xf32>, vector<16xi1> -> vector<16xf32>
      %swap3A_105 = arith.index_cast %add3A_32 : i32 to index
      %swap3A_106 = tpu.vector_load %arg11[%swap3A_105] masked %eq3A_8 {strides = array<i32>} : memref<144xf32, #tpu.memory_space<vmem>>, vector<16xf32>, vector<16xi1>
      tpu.vector_store %arg11[%swap3A_105], %mul3A_70 masked %eq3A_8 {strides = array<i32>} : memref<144xf32, #tpu.memory_space<vmem>>, vector<16xf32>, vector<16xi1>
      %eq3A_107 = arith.constant 15 : i32
      %eq3A_108 = vector.broadcast %eq3A_107 : i32 to vector<16xi32>
      %eq3A_109 = arith.cmpi eq, %iota3A, %eq3A_108 : vector<16xi32>
      %swap3A_110 = arith.index_cast %add3A_32 : i32 to index
      %swap3A_111 = tpu.vector_load %arg12[%swap3A_110] masked %eq3A_109 {strides = array<i32>} : memref<144xf32, #tpu.memory_space<vmem>>, vector<16xf32>, vector<16xi1>
      tpu.vector_store %arg12[%swap3A_110], %masked_cumsum3A masked %eq3A_109 {strides = array<i32>} : memref<144xf32, #tpu.memory_space<vmem>>, vector<16xf32>, vector<16xi1>
      %mul3A_112 = arith.constant 4 : i32
      %mul3A_113 = arith.muli %scan3A_28, %mul3A_112 : i32
      %add3A_114 = arith.constant 1 : i32
      %add3A_115 = arith.addi %mul3A_113, %add3A_114 : i32
      %get3A_116 = arith.index_cast %add3A_115 : i32 to index
      %get3A_117 = arith.constant 0 : index
      %get3A_118 = tpu.vector_load %arg7[%get3A_116, %get3A_117] {strides = array<i32>} : memref<128x100xf32, #tpu.memory_space<vmem>>, vector<16xf32>,
      %get3A_119 = arith.index_cast %add3A_115 : i32 to index
      %get3A_120 = arith.constant 16 : index
      %get3A_121 = tpu.vector_load %arg7[%get3A_119, %get3A_120] {strides = array<i32>} : memref<128x100xf32, #tpu.memory_space<vmem>>, vector<16xf32>,
      %get3A_122 = arith.index_cast %add3A_115 : i32 to index
      %get3A_123 = arith.constant 32 : index
      %get3A_124 = tpu.vector_load %arg7[%get3A_122, %get3A_123] {strides = array<i32>} : memref<128x100xf32, #tpu.memory_space<vmem>>, vector<16xf32>,
      %get3A_125 = arith.index_cast %add3A_115 : i32 to index
      %get3A_126 = arith.constant 48 : index
      %get3A_127 = tpu.vector_load %arg7[%get3A_125, %get3A_126] {strides = array<i32>} : memref<128x100xf32, #tpu.memory_space<vmem>>, vector<16xf32>,
      %get3A_128 = arith.index_cast %add3A_115 : i32 to index
      %get3A_129 = arith.constant 64 : index
      %get3A_130 = tpu.vector_load %arg7[%get3A_128, %get3A_129] {strides = array<i32>} : memref<128x100xf32, #tpu.memory_space<vmem>>, vector<16xf32>,
      %get3A_131 = arith.index_cast %add3A_115 : i32 to index
      %get3A_132 = arith.constant 80 : index
      %get3A_133 = tpu.vector_load %arg7[%get3A_131, %get3A_132] {strides = array<i32>} : memref<128x100xf32, #tpu.memory_space<vmem>>, vector<16xf32>,
      %get3A_134 = arith.index_cast %add3A_115 : i32 to index
      %get3A_135 = arith.constant 84 : index
      %get3A_136 = tpu.vector_load %arg7[%get3A_134, %get3A_135] {strides = array<i32>} : memref<128x100xf32, #tpu.memory_space<vmem>>, vector<16xf32>,
      %jit3A_137 = arith.constant -1.000000e+30 : f32
      %broadcast_in_dim3A_138 = vector.broadcast %jit3A_137 : f32 to vector<16xf32>
      %select_n3A_139 = arith.select %ge3A_6, %get3A_136, %broadcast_in_dim3A_138 : vector<16xi1>, vector<16xf32>
      %max3A_140 = arith.maximumf %get3A_118, %get3A_121 : vector<16xf32>
      %max3A_141 = arith.maximumf %get3A_124, %get3A_127 : vector<16xf32>
      %max3A_142 = arith.maximumf %get3A_130, %get3A_133 : vector<16xf32>
      %max3A_143 = arith.maximumf %max3A_140, %max3A_141 : vector<16xf32>
      %max3A_144 = arith.maximumf %max3A_142, %select_n3A_139 : vector<16xf32>
      %max3A_145 = arith.maximumf %max3A_143, %max3A_144 : vector<16xf32>
      %broadcast_in_dim3A_146 = arith.constant true
      %broadcast_in_dim3A_147 = vector.broadcast %broadcast_in_dim3A_146 : i1 to vector<16xi1>
      %masked_cummax3A_148 = tpu.scan <max>, %max3A_145 masked %broadcast_in_dim3A_147 : vector<16xf32>, vector<16xi1> -> vector<16xf32>
      %lt3A_149 = arith.constant 0 : i32
      %lt3A_150 = vector.broadcast %lt3A_149 : i32 to vector<16xi32>
      %lt3A_151 = arith.cmpi slt, %broadcast_in_dim3A_9, %lt3A_150 : vector<16xi32>
      %add3A_152 = arith.constant 16 : i32
      %add3A_153 = vector.broadcast %add3A_152 : i32 to vector<16xi32>
      %add3A_154 = arith.addi %broadcast_in_dim3A_9, %add3A_153 : vector<16xi32>
      %select_n3A_155 = arith.select %lt3A_151, %add3A_154, %broadcast_in_dim3A_9 : vector<16xi1>, vector<16xi32>
      %broadcast_in_dim3A_156 = vector.shape_cast %select_n3A_155 : vector<16xi32> to vector<16x1xi32>
      %gather3A_157 = vector.shape_cast %broadcast_in_dim3A_156 : vector<16x1xi32> to vector<16xi32>
      %gather3A_158 = tpu.dynamic_gather %masked_cummax3A_148[%gather3A_157] in [0] : vector<16xf32>, vector<16xi32> -> vector<16xf32>
      %mul3A_159 = vector.broadcast %scan3A_10 : f32 to vector<16xf32>
      %mul3A_160 = arith.mulf %mul3A_159, %gather3A_158 : vector<16xf32>
      %mul3A_161 = vector.broadcast %scan3A_10 : f32 to vector<16xf32>
      %mul3A_162 = arith.mulf %mul3A_161, %get3A_118 : vector<16xf32>
      %sub3A_163 = arith.subf %mul3A_162, %mul3A_160 : vector<16xf32>
      %exp3A_164 = math.exp %sub3A_163 : vector<16xf32>
      %mul3A_165 = vector.broadcast %scan3A_10 : f32 to vector<16xf32>
      %mul3A_166 = arith.mulf %mul3A_165, %get3A_121 : vector<16xf32>
      %sub3A_167 = arith.subf %mul3A_166, %mul3A_160 : vector<16xf32>
      %exp3A_168 = math.exp %sub3A_167 : vector<16xf32>
      %mul3A_169 = vector.broadcast %scan3A_10 : f32 to vector<16xf32>
      %mul3A_170 = arith.mulf %mul3A_169, %get3A_124 : vector<16xf32>
      %sub3A_171 = arith.subf %mul3A_170, %mul3A_160 : vector<16xf32>
      %exp3A_172 = math.exp %sub3A_171 : vector<16xf32>
      %mul3A_173 = vector.broadcast %scan3A_10 : f32 to vector<16xf32>
      %mul3A_174 = arith.mulf %mul3A_173, %get3A_127 : vector<16xf32>
      %sub3A_175 = arith.subf %mul3A_174, %mul3A_160 : vector<16xf32>
      %exp3A_176 = math.exp %sub3A_175 : vector<16xf32>
      %mul3A_177 = vector.broadcast %scan3A_10 : f32 to vector<16xf32>
      %mul3A_178 = arith.mulf %mul3A_177, %get3A_130 : vector<16xf32>
      %sub3A_179 = arith.subf %mul3A_178, %mul3A_160 : vector<16xf32>
      %exp3A_180 = math.exp %sub3A_179 : vector<16xf32>
      %mul3A_181 = vector.broadcast %scan3A_10 : f32 to vector<16xf32>
      %mul3A_182 = arith.mulf %mul3A_181, %get3A_133 : vector<16xf32>
      %sub3A_183 = arith.subf %mul3A_182, %mul3A_160 : vector<16xf32>
      %exp3A_184 = math.exp %sub3A_183 : vector<16xf32>
      %mul3A_185 = vector.broadcast %scan3A_10 : f32 to vector<16xf32>
      %mul3A_186 = arith.mulf %mul3A_185, %select_n3A_139 : vector<16xf32>
      %sub3A_187 = arith.subf %mul3A_186, %mul3A_160 : vector<16xf32>
      %exp3A_188 = math.exp %sub3A_187 : vector<16xf32>
      %add3A_189 = arith.addf %exp3A_164, %exp3A_168 : vector<16xf32>
      %add3A_190 = arith.addf %exp3A_172, %exp3A_176 : vector<16xf32>
      %add3A_191 = arith.addf %exp3A_180, %exp3A_184 : vector<16xf32>
      %add3A_192 = arith.addf %add3A_189, %add3A_190 : vector<16xf32>
      %add3A_193 = arith.addf %add3A_191, %exp3A_188 : vector<16xf32>
      %add3A_194 = arith.addf %add3A_192, %add3A_193 : vector<16xf32>
      %broadcast_in_dim3A_195 = arith.constant true
      %broadcast_in_dim3A_196 = vector.broadcast %broadcast_in_dim3A_195 : i1 to vector<16xi1>
      %masked_cumsum3A_197 = tpu.scan <sum>, %add3A_194 masked %broadcast_in_dim3A_196 : vector<16xf32>, vector<16xi1> -> vector<16xf32>
      %swap3A_198 = arith.index_cast %add3A_115 : i32 to index
      %swap3A_199 = tpu.vector_load %arg11[%swap3A_198] masked %eq3A_8 {strides = array<i32>} : memref<144xf32, #tpu.memory_space<vmem>>, vector<16xf32>, vector<16xi1>
      tpu.vector_store %arg11[%swap3A_198], %mul3A_160 masked %eq3A_8 {strides = array<i32>} : memref<144xf32, #tpu.memory_space<vmem>>, vector<16xf32>, vector<16xi1>
      %eq3A_200 = arith.constant 15 : i32
      %eq3A_201 = vector.broadcast %eq3A_200 : i32 to vector<16xi32>
      %eq3A_202 = arith.cmpi eq, %iota3A, %eq3A_201 : vector<16xi32>
      %swap3A_203 = arith.index_cast %add3A_115 : i32 to index
      %swap3A_204 = tpu.vector_load %arg12[%swap3A_203] masked %eq3A_202 {strides = array<i32>} : memref<144xf32, #tpu.memory_space<vmem>>, vector<16xf32>, vector<16xi1>
      tpu.vector_store %arg12[%swap3A_203], %masked_cumsum3A_197 masked %eq3A_202 {strides = array<i32>} : memref<144xf32, #tpu.memory_space<vmem>>, vector<16xf32>, vector<16xi1>
      %mul3A_205 = arith.constant 4 : i32
      %mul3A_206 = arith.muli %scan3A_28, %mul3A_205 : i32
      %add3A_207 = arith.constant 2 : i32
      %add3A_208 = arith.addi %mul3A_206, %add3A_207 : i32
      %get3A_209 = arith.index_cast %add3A_208 : i32 to index
      %get3A_210 = arith.constant 0 : index
      %get3A_211 = tpu.vector_load %arg7[%get3A_209, %get3A_210] {strides = array<i32>} : memref<128x100xf32, #tpu.memory_space<vmem>>, vector<16xf32>,
      %get3A_212 = arith.index_cast %add3A_208 : i32 to index
      %get3A_213 = arith.constant 16 : index
      %get3A_214 = tpu.vector_load %arg7[%get3A_212, %get3A_213] {strides = array<i32>} : memref<128x100xf32, #tpu.memory_space<vmem>>, vector<16xf32>,
      %get3A_215 = arith.index_cast %add3A_208 : i32 to index
      %get3A_216 = arith.constant 32 : index
      %get3A_217 = tpu.vector_load %arg7[%get3A_215, %get3A_216] {strides = array<i32>} : memref<128x100xf32, #tpu.memory_space<vmem>>, vector<16xf32>,
      %get3A_218 = arith.index_cast %add3A_208 : i32 to index
      %get3A_219 = arith.constant 48 : index
      %get3A_220 = tpu.vector_load %arg7[%get3A_218, %get3A_219] {strides = array<i32>} : memref<128x100xf32, #tpu.memory_space<vmem>>, vector<16xf32>,
      %get3A_221 = arith.index_cast %add3A_208 : i32 to index
      %get3A_222 = arith.constant 64 : index
      %get3A_223 = tpu.vector_load %arg7[%get3A_221, %get3A_222] {strides = array<i32>} : memref<128x100xf32, #tpu.memory_space<vmem>>, vector<16xf32>,
      %get3A_224 = arith.index_cast %add3A_208 : i32 to index
      %get3A_225 = arith.constant 80 : index
      %get3A_226 = tpu.vector_load %arg7[%get3A_224, %get3A_225] {strides = array<i32>} : memref<128x100xf32, #tpu.memory_space<vmem>>, vector<16xf32>,
      %get3A_227 = arith.index_cast %add3A_208 : i32 to index
      %get3A_228 = arith.constant 84 : index
      %get3A_229 = tpu.vector_load %arg7[%get3A_227, %get3A_228] {strides = array<i32>} : memref<128x100xf32, #tpu.memory_space<vmem>>, vector<16xf32>,
      %jit3A_230 = arith.constant -1.000000e+30 : f32
      %broadcast_in_dim3A_231 = vector.broadcast %jit3A_230 : f32 to vector<16xf32>
      %select_n3A_232 = arith.select %ge3A_6, %get3A_229, %broadcast_in_dim3A_231 : vector<16xi1>, vector<16xf32>
      %max3A_233 = arith.maximumf %get3A_211, %get3A_214 : vector<16xf32>
      %max3A_234 = arith.maximumf %get3A_217, %get3A_220 : vector<16xf32>
      %max3A_235 = arith.maximumf %get3A_223, %get3A_226 : vector<16xf32>
      %max3A_236 = arith.maximumf %max3A_233, %max3A_234 : vector<16xf32>
      %max3A_237 = arith.maximumf %max3A_235, %select_n3A_232 : vector<16xf32>
      %max3A_238 = arith.maximumf %max3A_236, %max3A_237 : vector<16xf32>
      %broadcast_in_dim3A_239 = arith.constant true
      %broadcast_in_dim3A_240 = vector.broadcast %broadcast_in_dim3A_239 : i1 to vector<16xi1>
      %masked_cummax3A_241 = tpu.scan <max>, %max3A_238 masked %broadcast_in_dim3A_240 : vector<16xf32>, vector<16xi1> -> vector<16xf32>
      %lt3A_242 = arith.constant 0 : i32
      %lt3A_243 = vector.broadcast %lt3A_242 : i32 to vector<16xi32>
      %lt3A_244 = arith.cmpi slt, %broadcast_in_dim3A_9, %lt3A_243 : vector<16xi32>
      %add3A_245 = arith.constant 16 : i32
      %add3A_246 = vector.broadcast %add3A_245 : i32 to vector<16xi32>
      %add3A_247 = arith.addi %broadcast_in_dim3A_9, %add3A_246 : vector<16xi32>
      %select_n3A_248 = arith.select %lt3A_244, %add3A_247, %broadcast_in_dim3A_9 : vector<16xi1>, vector<16xi32>
      %broadcast_in_dim3A_249 = vector.shape_cast %select_n3A_248 : vector<16xi32> to vector<16x1xi32>
      %gather3A_250 = vector.shape_cast %broadcast_in_dim3A_249 : vector<16x1xi32> to vector<16xi32>
      %gather3A_251 = tpu.dynamic_gather %masked_cummax3A_241[%gather3A_250] in [0] : vector<16xf32>, vector<16xi32> -> vector<16xf32>
      %mul3A_252 = vector.broadcast %scan3A_10 : f32 to vector<16xf32>
      %mul3A_253 = arith.mulf %mul3A_252, %gather3A_251 : vector<16xf32>
      %mul3A_254 = vector.broadcast %scan3A_10 : f32 to vector<16xf32>
      %mul3A_255 = arith.mulf %mul3A_254, %get3A_211 : vector<16xf32>
      %sub3A_256 = arith.subf %mul3A_255, %mul3A_253 : vector<16xf32>
      %exp3A_257 = math.exp %sub3A_256 : vector<16xf32>
      %mul3A_258 = vector.broadcast %scan3A_10 : f32 to vector<16xf32>
      %mul3A_259 = arith.mulf %mul3A_258, %get3A_214 : vector<16xf32>
      %sub3A_260 = arith.subf %mul3A_259, %mul3A_253 : vector<16xf32>
      %exp3A_261 = math.exp %sub3A_260 : vector<16xf32>
      %mul3A_262 = vector.broadcast %scan3A_10 : f32 to vector<16xf32>
      %mul3A_263 = arith.mulf %mul3A_262, %get3A_217 : vector<16xf32>
      %sub3A_264 = arith.subf %mul3A_263, %mul3A_253 : vector<16xf32>
      %exp3A_265 = math.exp %sub3A_264 : vector<16xf32>
      %mul3A_266 = vector.broadcast %scan3A_10 : f32 to vector<16xf32>
      %mul3A_267 = arith.mulf %mul3A_266, %get3A_220 : vector<16xf32>
      %sub3A_268 = arith.subf %mul3A_267, %mul3A_253 : vector<16xf32>
      %exp3A_269 = math.exp %sub3A_268 : vector<16xf32>
      %mul3A_270 = vector.broadcast %scan3A_10 : f32 to vector<16xf32>
      %mul3A_271 = arith.mulf %mul3A_270, %get3A_223 : vector<16xf32>
      %sub3A_272 = arith.subf %mul3A_271, %mul3A_253 : vector<16xf32>
      %exp3A_273 = math.exp %sub3A_272 : vector<16xf32>
      %mul3A_274 = vector.broadcast %scan3A_10 : f32 to vector<16xf32>
      %mul3A_275 = arith.mulf %mul3A_274, %get3A_226 : vector<16xf32>
      %sub3A_276 = arith.subf %mul3A_275, %mul3A_253 : vector<16xf32>
      %exp3A_277 = math.exp %sub3A_276 : vector<16xf32>
      %mul3A_278 = vector.broadcast %scan3A_10 : f32 to vector<16xf32>
      %mul3A_279 = arith.mulf %mul3A_278, %select_n3A_232 : vector<16xf32>
      %sub3A_280 = arith.subf %mul3A_279, %mul3A_253 : vector<16xf32>
      %exp3A_281 = math.exp %sub3A_280 : vector<16xf32>
      %add3A_282 = arith.addf %exp3A_257, %exp3A_261 : vector<16xf32>
      %add3A_283 = arith.addf %exp3A_265, %exp3A_269 : vector<16xf32>
      %add3A_284 = arith.addf %exp3A_273, %exp3A_277 : vector<16xf32>
      %add3A_285 = arith.addf %add3A_282, %add3A_283 : vector<16xf32>
      %add3A_286 = arith.addf %add3A_284, %exp3A_281 : vector<16xf32>
      %add3A_287 = arith.addf %add3A_285, %add3A_286 : vector<16xf32>
      %broadcast_in_dim3A_288 = arith.constant true
      %broadcast_in_dim3A_289 = vector.broadcast %broadcast_in_dim3A_288 : i1 to vector<16xi1>
      %masked_cumsum3A_290 = tpu.scan <sum>, %add3A_287 masked %broadcast_in_dim3A_289 : vector<16xf32>, vector<16xi1> -> vector<16xf32>
      %swap3A_291 = arith.index_cast %add3A_208 : i32 to index
      %swap3A_292 = tpu.vector_load %arg11[%swap3A_291] masked %eq3A_8 {strides = array<i32>} : memref<144xf32, #tpu.memory_space<vmem>>, vector<16xf32>, vector<16xi1>
      tpu.vector_store %arg11[%swap3A_291], %mul3A_253 masked %eq3A_8 {strides = array<i32>} : memref<144xf32, #tpu.memory_space<vmem>>, vector<16xf32>, vector<16xi1>
      %eq3A_293 = arith.constant 15 : i32
      %eq3A_294 = vector.broadcast %eq3A_293 : i32 to vector<16xi32>
      %eq3A_295 = arith.cmpi eq, %iota3A, %eq3A_294 : vector<16xi32>
      %swap3A_296 = arith.index_cast %add3A_208 : i32 to index
      %swap3A_297 = tpu.vector_load %arg12[%swap3A_296] masked %eq3A_295 {strides = array<i32>} : memref<144xf32, #tpu.memory_space<vmem>>, vector<16xf32>, vector<16xi1>
      tpu.vector_store %arg12[%swap3A_296], %masked_cumsum3A_290 masked %eq3A_295 {strides = array<i32>} : memref<144xf32, #tpu.memory_space<vmem>>, vector<16xf32>, vector<16xi1>
      %mul3A_298 = arith.constant 4 : i32
      %mul3A_299 = arith.muli %scan3A_28, %mul3A_298 : i32
      %add3A_300 = arith.constant 3 : i32
      %add3A_301 = arith.addi %mul3A_299, %add3A_300 : i32
      %get3A_302 = arith.index_cast %add3A_301 : i32 to index
      %get3A_303 = arith.constant 0 : index
      %get3A_304 = tpu.vector_load %arg7[%get3A_302, %get3A_303] {strides = array<i32>} : memref<128x100xf32, #tpu.memory_space<vmem>>, vector<16xf32>,
      %get3A_305 = arith.index_cast %add3A_301 : i32 to index
      %get3A_306 = arith.constant 16 : index
      %get3A_307 = tpu.vector_load %arg7[%get3A_305, %get3A_306] {strides = array<i32>} : memref<128x100xf32, #tpu.memory_space<vmem>>, vector<16xf32>,
      %get3A_308 = arith.index_cast %add3A_301 : i32 to index
      %get3A_309 = arith.constant 32 : index
      %get3A_310 = tpu.vector_load %arg7[%get3A_308, %get3A_309] {strides = array<i32>} : memref<128x100xf32, #tpu.memory_space<vmem>>, vector<16xf32>,
      %get3A_311 = arith.index_cast %add3A_301 : i32 to index
      %get3A_312 = arith.constant 48 : index
      %get3A_313 = tpu.vector_load %arg7[%get3A_311, %get3A_312] {strides = array<i32>} : memref<128x100xf32, #tpu.memory_space<vmem>>, vector<16xf32>,
      %get3A_314 = arith.index_cast %add3A_301 : i32 to index
      %get3A_315 = arith.constant 64 : index
      %get3A_316 = tpu.vector_load %arg7[%get3A_314, %get3A_315] {strides = array<i32>} : memref<128x100xf32, #tpu.memory_space<vmem>>, vector<16xf32>,
      %get3A_317 = arith.index_cast %add3A_301 : i32 to index
      %get3A_318 = arith.constant 80 : index
      %get3A_319 = tpu.vector_load %arg7[%get3A_317, %get3A_318] {strides = array<i32>} : memref<128x100xf32, #tpu.memory_space<vmem>>, vector<16xf32>,
      %get3A_320 = arith.index_cast %add3A_301 : i32 to index
      %get3A_321 = arith.constant 84 : index
      %get3A_322 = tpu.vector_load %arg7[%get3A_320, %get3A_321] {strides = array<i32>} : memref<128x100xf32, #tpu.memory_space<vmem>>, vector<16xf32>,
      %jit3A_323 = arith.constant -1.000000e+30 : f32
      %broadcast_in_dim3A_324 = vector.broadcast %jit3A_323 : f32 to vector<16xf32>
      %select_n3A_325 = arith.select %ge3A_6, %get3A_322, %broadcast_in_dim3A_324 : vector<16xi1>, vector<16xf32>
      %max3A_326 = arith.maximumf %get3A_304, %get3A_307 : vector<16xf32>
      %max3A_327 = arith.maximumf %get3A_310, %get3A_313 : vector<16xf32>
      %max3A_328 = arith.maximumf %get3A_316, %get3A_319 : vector<16xf32>
      %max3A_329 = arith.maximumf %max3A_326, %max3A_327 : vector<16xf32>
      %max3A_330 = arith.maximumf %max3A_328, %select_n3A_325 : vector<16xf32>
      %max3A_331 = arith.maximumf %max3A_329, %max3A_330 : vector<16xf32>
      %broadcast_in_dim3A_332 = arith.constant true
      %broadcast_in_dim3A_333 = vector.broadcast %broadcast_in_dim3A_332 : i1 to vector<16xi1>
      %masked_cummax3A_334 = tpu.scan <max>, %max3A_331 masked %broadcast_in_dim3A_333 : vector<16xf32>, vector<16xi1> -> vector<16xf32>
      %lt3A_335 = arith.constant 0 : i32
      %lt3A_336 = vector.broadcast %lt3A_335 : i32 to vector<16xi32>
      %lt3A_337 = arith.cmpi slt, %broadcast_in_dim3A_9, %lt3A_336 : vector<16xi32>
      %add3A_338 = arith.constant 16 : i32
      %add3A_339 = vector.broadcast %add3A_338 : i32 to vector<16xi32>
      %add3A_340 = arith.addi %broadcast_in_dim3A_9, %add3A_339 : vector<16xi32>
      %select_n3A_341 = arith.select %lt3A_337, %add3A_340, %broadcast_in_dim3A_9 : vector<16xi1>, vector<16xi32>
      %broadcast_in_dim3A_342 = vector.shape_cast %select_n3A_341 : vector<16xi32> to vector<16x1xi32>
      %gather3A_343 = vector.shape_cast %broadcast_in_dim3A_342 : vector<16x1xi32> to vector<16xi32>
      %gather3A_344 = tpu.dynamic_gather %masked_cummax3A_334[%gather3A_343] in [0] : vector<16xf32>, vector<16xi32> -> vector<16xf32>
      %mul3A_345 = vector.broadcast %scan3A_10 : f32 to vector<16xf32>
      %mul3A_346 = arith.mulf %mul3A_345, %gather3A_344 : vector<16xf32>
      %mul3A_347 = vector.broadcast %scan3A_10 : f32 to vector<16xf32>
      %mul3A_348 = arith.mulf %mul3A_347, %get3A_304 : vector<16xf32>
      %sub3A_349 = arith.subf %mul3A_348, %mul3A_346 : vector<16xf32>
      %exp3A_350 = math.exp %sub3A_349 : vector<16xf32>
      %mul3A_351 = vector.broadcast %scan3A_10 : f32 to vector<16xf32>
      %mul3A_352 = arith.mulf %mul3A_351, %get3A_307 : vector<16xf32>
      %sub3A_353 = arith.subf %mul3A_352, %mul3A_346 : vector<16xf32>
      %exp3A_354 = math.exp %sub3A_353 : vector<16xf32>
      %mul3A_355 = vector.broadcast %scan3A_10 : f32 to vector<16xf32>
      %mul3A_356 = arith.mulf %mul3A_355, %get3A_310 : vector<16xf32>
      %sub3A_357 = arith.subf %mul3A_356, %mul3A_346 : vector<16xf32>
      %exp3A_358 = math.exp %sub3A_357 : vector<16xf32>
      %mul3A_359 = vector.broadcast %scan3A_10 : f32 to vector<16xf32>
      %mul3A_360 = arith.mulf %mul3A_359, %get3A_313 : vector<16xf32>
      %sub3A_361 = arith.subf %mul3A_360, %mul3A_346 : vector<16xf32>
      %exp3A_362 = math.exp %sub3A_361 : vector<16xf32>
      %mul3A_363 = vector.broadcast %scan3A_10 : f32 to vector<16xf32>
      %mul3A_364 = arith.mulf %mul3A_363, %get3A_316 : vector<16xf32>
      %sub3A_365 = arith.subf %mul3A_364, %mul3A_346 : vector<16xf32>
      %exp3A_366 = math.exp %sub3A_365 : vector<16xf32>
      %mul3A_367 = vector.broadcast %scan3A_10 : f32 to vector<16xf32>
      %mul3A_368 = arith.mulf %mul3A_367, %get3A_319 : vector<16xf32>
      %sub3A_369 = arith.subf %mul3A_368, %mul3A_346 : vector<16xf32>
      %exp3A_370 = math.exp %sub3A_369 : vector<16xf32>
      %mul3A_371 = vector.broadcast %scan3A_10 : f32 to vector<16xf32>
      %mul3A_372 = arith.mulf %mul3A_371, %select_n3A_325 : vector<16xf32>
      %sub3A_373 = arith.subf %mul3A_372, %mul3A_346 : vector<16xf32>
      %exp3A_374 = math.exp %sub3A_373 : vector<16xf32>
      %add3A_375 = arith.addf %exp3A_350, %exp3A_354 : vector<16xf32>
      %add3A_376 = arith.addf %exp3A_358, %exp3A_362 : vector<16xf32>
      %add3A_377 = arith.addf %exp3A_366, %exp3A_370 : vector<16xf32>
      %add3A_378 = arith.addf %add3A_375, %add3A_376 : vector<16xf32>
      %add3A_379 = arith.addf %add3A_377, %exp3A_374 : vector<16xf32>
      %add3A_380 = arith.addf %add3A_378, %add3A_379 : vector<16xf32>
      %broadcast_in_dim3A_381 = arith.constant true
      %broadcast_in_dim3A_382 = vector.broadcast %broadcast_in_dim3A_381 : i1 to vector<16xi1>
      %masked_cumsum3A_383 = tpu.scan <sum>, %add3A_380 masked %broadcast_in_dim3A_382 : vector<16xf32>, vector<16xi1> -> vector<16xf32>
      %swap3A_384 = arith.index_cast %add3A_301 : i32 to index
      %swap3A_385 = tpu.vector_load %arg11[%swap3A_384] masked %eq3A_8 {strides = array<i32>} : memref<144xf32, #tpu.memory_space<vmem>>, vector<16xf32>, vector<16xi1>
      tpu.vector_store %arg11[%swap3A_384], %mul3A_346 masked %eq3A_8 {strides = array<i32>} : memref<144xf32, #tpu.memory_space<vmem>>, vector<16xf32>, vector<16xi1>
      %eq3A_386 = arith.constant 15 : i32
      %eq3A_387 = vector.broadcast %eq3A_386 : i32 to vector<16xi32>
      %eq3A_388 = arith.cmpi eq, %iota3A, %eq3A_387 : vector<16xi32>
      %swap3A_389 = arith.index_cast %add3A_301 : i32 to index
      %swap3A_390 = tpu.vector_load %arg12[%swap3A_389] masked %eq3A_388 {strides = array<i32>} : memref<144xf32, #tpu.memory_space<vmem>>, vector<16xf32>, vector<16xi1>
      tpu.vector_store %arg12[%swap3A_389], %masked_cumsum3A_383 masked %eq3A_388 {strides = array<i32>} : memref<144xf32, #tpu.memory_space<vmem>>, vector<16xf32>, vector<16xi1>
    }
    %scan3A_15 = arith.constant 32 : i32
    %broadcast_in_dim3A_16 = arith.constant 0.000000e+00 : f32
    %broadcast_in_dim3A_17 = vector.broadcast %broadcast_in_dim3A_16 : f32 to vector<16xf32>
    %scan3A_18 = arith.constant 3.000000e+01 : f32
    %scan3A_19 = arith.constant 0 : i32
    %scan3A_20 = arith.constant 8 : i32
    %scan3A_21 = arith.addi %scan3A_19, %scan3A_20 : i32
    %scan3A_22 = arith.constant 1 : i32
    %scan3A_23 = scf.for %scan3A_28 = %scan3A_19 to %scan3A_21 step %scan3A_22 iter_args(%scan3A_29 = %broadcast_in_dim3A_17) -> (vector<16xf32>)  : i32 {
      %mul3A_30 = arith.constant 16 : i32
      %mul3A_31 = arith.muli %scan3A_28, %mul3A_30 : i32
      %get3A = arith.index_cast %mul3A_31 : i32 to index
      %get3A_32 = tpu.vector_load %arg8[%get3A] {strides = array<i32>} : memref<128xi32, #tpu.memory_space<vmem>>, vector<16xi32>,
      %mul3A_33 = arith.constant 16 : i32
      %mul3A_34 = arith.muli %scan3A_28, %mul3A_33 : i32
      %get3A_35 = arith.index_cast %mul3A_34 : i32 to index
      %get3A_36 = tpu.vector_load %arg9[%get3A_35] {strides = array<i32>} : memref<128xf32, #tpu.memory_space<vmem>>, vector<16xf32>,
      %mul3A_37 = arith.constant 16 : i32
      %mul3A_38 = arith.muli %scan3A_28, %mul3A_37 : i32
      %get3A_39 = arith.index_cast %mul3A_38 : i32 to index
      %get3A_40 = tpu.vector_load %arg11[%get3A_39] {strides = array<i32>} : memref<144xf32, #tpu.memory_space<vmem>>, vector<16xf32>,
      %mul3A_41 = arith.constant 16 : i32
      %mul3A_42 = arith.muli %scan3A_28, %mul3A_41 : i32
      %get3A_43 = arith.index_cast %mul3A_42 : i32 to index
      %get3A_44 = tpu.vector_load %arg12[%get3A_43] {strides = array<i32>} : memref<144xf32, #tpu.memory_space<vmem>>, vector<16xf32>,
      %gather3A = tpu.vector_load_idx %arg10[%get3A_32] : memref<112xf32, #tpu.memory_space<vmem>>[vector<16xi32>], vector<16xf32>,
      %mul3A_45 = arith.constant 16 : i32
      %mul3A_46 = arith.muli %scan3A_28, %mul3A_45 : i32
      %add3A_47 = vector.broadcast %mul3A_46 : i32 to vector<16xi32>
      %add3A_48 = arith.addi %add3A_47, %iota3A : vector<16xi32>
      %gather3A_49 = tpu.vector_load_idx %arg7[%add3A_48, %get3A_32] : memref<128x100xf32, #tpu.memory_space<vmem>>[vector<16xi32>, vector<16xi32>], vector<16xf32>,
      %mul3A_50 = vector.broadcast %scan3A_18 : f32 to vector<16xf32>
      %mul3A_51 = arith.mulf %mul3A_50, %gather3A_49 : vector<16xf32>
      %sub3A = arith.subf %mul3A_51, %get3A_40 : vector<16xf32>
      %exp3A = math.exp %sub3A : vector<16xf32>
      %mul3A_52 = vector.broadcast %scan3A_18 : f32 to vector<16xf32>
      %mul3A_53 = arith.mulf %mul3A_52, %gather3A : vector<16xf32>
      %sub3A_54 = arith.subf %mul3A_51, %mul3A_53 : vector<16xf32>
      %sub3A_55 = arith.subf %sub3A_54, %get3A_40 : vector<16xf32>
      %exp3A_56 = math.exp %sub3A_55 : vector<16xf32>
      %sub3A_57 = arith.subf %get3A_44, %exp3A : vector<16xf32>
      %add3A_58 = arith.addf %sub3A_57, %exp3A_56 : vector<16xf32>
      %bitcast_convert_type3A = tpu.bitcast %add3A_58 : vector<16xf32> -> vector<16xi32>
      %shift_right_logical3A = arith.constant 23 : i32
      %shift_right_logical3A_59 = vector.broadcast %shift_right_logical3A : i32 to vector<16xi32>
      %shift_right_logical3A_60 = arith.shrui %bitcast_convert_type3A, %shift_right_logical3A_59 : vector<16xi32>
      %sub3A_61 = arith.constant 127 : i32
      %sub3A_62 = vector.broadcast %sub3A_61 : i32 to vector<16xi32>
      %sub3A_63 = arith.subi %shift_right_logical3A_60, %sub3A_62 : vector<16xi32>
      %and3A = arith.constant 8388607 : i32
      %and3A_64 = vector.broadcast %and3A : i32 to vector<16xi32>
      %and3A_65 = arith.andi %bitcast_convert_type3A, %and3A_64 : vector<16xi32>
      %or3A = arith.constant 1065353216 : i32
      %or3A_66 = vector.broadcast %or3A : i32 to vector<16xi32>
      %or3A_67 = arith.ori %and3A_65, %or3A_66 : vector<16xi32>
      %bitcast_convert_type3A_68 = tpu.bitcast %or3A_67 : vector<16xi32> -> vector<16xf32>
      %gt3A = arith.constant 1.41421354 : f32
      %gt3A_69 = vector.broadcast %gt3A : f32 to vector<16xf32>
      %gt3A_70 = arith.cmpf ogt, %bitcast_convert_type3A_68, %gt3A_69 : vector<16xf32>
      %mul3A_71 = arith.constant 5.000000e-01 : f32
      %mul3A_72 = vector.broadcast %mul3A_71 : f32 to vector<16xf32>
      %mul3A_73 = arith.mulf %bitcast_convert_type3A_68, %mul3A_72 : vector<16xf32>
      %select_n3A = arith.select %gt3A_70, %mul3A_73, %bitcast_convert_type3A_68 : vector<16xi1>, vector<16xf32>
      %jit3A = arith.constant 1 : i32
      %jit3A_74 = arith.constant 0 : i32
      %broadcast_in_dim3A_75 = vector.broadcast %jit3A : i32 to vector<16xi32>
      %broadcast_in_dim3A_76 = vector.broadcast %jit3A_74 : i32 to vector<16xi32>
      %select_n3A_77 = arith.select %gt3A_70, %broadcast_in_dim3A_75, %broadcast_in_dim3A_76 : vector<16xi1>, vector<16xi32>
      %add3A_78 = arith.addi %sub3A_63, %select_n3A_77 : vector<16xi32>
      %sub3A_79 = arith.constant 1.000000e+00 : f32
      %sub3A_80 = vector.broadcast %sub3A_79 : f32 to vector<16xf32>
      %sub3A_81 = arith.subf %select_n3A, %sub3A_80 : vector<16xf32>
      %add3A_82 = arith.constant 1.000000e+00 : f32
      %add3A_83 = vector.broadcast %add3A_82 : f32 to vector<16xf32>
      %add3A_84 = arith.addf %select_n3A, %add3A_83 : vector<16xf32>
      %div3A = arith.divf %sub3A_81, %add3A_84 : vector<16xf32>
      %mul3A_85 = arith.mulf %div3A, %div3A : vector<16xf32>
      %mul3A_86 = arith.constant 0.222222224 : f32
      %mul3A_87 = vector.broadcast %mul3A_86 : f32 to vector<16xf32>
      %mul3A_88 = arith.mulf %mul3A_85, %mul3A_87 : vector<16xf32>
      %add3A_89 = arith.constant 0.285714298 : f32
      %add3A_90 = vector.broadcast %add3A_89 : f32 to vector<16xf32>
      %add3A_91 = arith.addf %add3A_90, %mul3A_88 : vector<16xf32>
      %mul3A_92 = arith.mulf %mul3A_85, %add3A_91 : vector<16xf32>
      %add3A_93 = arith.constant 4.000000e-01 : f32
      %add3A_94 = vector.broadcast %add3A_93 : f32 to vector<16xf32>
      %add3A_95 = arith.addf %add3A_94, %mul3A_92 : vector<16xf32>
      %mul3A_96 = arith.mulf %mul3A_85, %add3A_95 : vector<16xf32>
      %add3A_97 = arith.constant 0.666666686 : f32
      %add3A_98 = vector.broadcast %add3A_97 : f32 to vector<16xf32>
      %add3A_99 = arith.addf %add3A_98, %mul3A_96 : vector<16xf32>
      %mul3A_100 = arith.mulf %mul3A_85, %add3A_99 : vector<16xf32>
      %add3A_101 = arith.constant 2.000000e+00 : f32
      %add3A_102 = vector.broadcast %add3A_101 : f32 to vector<16xf32>
      %add3A_103 = arith.addf %add3A_102, %mul3A_100 : vector<16xf32>
      %convert_element_type3A = arith.sitofp %add3A_78 : vector<16xi32> to vector<16xf32>
      %mul3A_104 = arith.constant 0.693147182 : f32
      %mul3A_105 = vector.broadcast %mul3A_104 : f32 to vector<16xf32>
      %mul3A_106 = arith.mulf %convert_element_type3A, %mul3A_105 : vector<16xf32>
      %mul3A_107 = arith.mulf %div3A, %add3A_103 : vector<16xf32>
      %add3A_108 = arith.addf %mul3A_106, %mul3A_107 : vector<16xf32>
      %add3A_109 = arith.addf %get3A_40, %add3A_108 : vector<16xf32>
      %sub3A_110 = arith.subf %add3A_109, %mul3A_51 : vector<16xf32>
      %mul3A_111 = vector.broadcast %scan3A_18 : f32 to vector<16xf32>
      %mul3A_112 = arith.mulf %mul3A_111, %gather3A : vector<16xf32>
      %add3A_113 = arith.addf %sub3A_110, %mul3A_112 : vector<16xf32>
      %mul3A_114 = arith.mulf %add3A_113, %get3A_36 : vector<16xf32>
      %add3A_115 = arith.addf %scan3A_29, %mul3A_114 : vector<16xf32>
      scf.yield %add3A_115 : vector<16xf32>
    }
    %scan3A_24 = arith.constant 8 : i32
    %swap3A = arith.constant 0 : index
    %swap3A_25 = tpu.vector_load %arg13[%swap3A] {strides = array<i32>} : memref<16xf32, #tpu.memory_space<vmem>>, vector<16xf32>,
    tpu.vector_store %arg13[%swap3A], %scan3A_23 {strides = array<i32>} : memref<16xf32, #tpu.memory_space<vmem>>, vector<16xf32>,
    %mul3A_26 = arith.constant 16 : i32
    %mul3A_27 = arith.muli %add3A, %mul3A_26 : i32
    "tpu.region"() ({
      %run_scoped3A = tpu.sem_alloc : memref<!tpu.dma_semaphore, #tpu.memory_space<semaphore_mem>>
      %dma_start3A = tpu.memref_slice %arg6[%mul3A_27] : memref<512xf32, #tpu.memory_space<hbm>> -> memref<16xf32, #tpu.memory_space<hbm>>
      %dma_start3A_28 = tpu.memref_slice %arg6[%mul3A_27] : memref<512xf32, #tpu.memory_space<hbm>> -> memref<16xf32, #tpu.memory_space<hbm>>
      tpu.enqueue_dma source(%arg13 : memref<16xf32, #tpu.memory_space<vmem>>) target(%dma_start3A_28 : memref<16xf32, #tpu.memory_space<hbm>>) target_semaphore(%run_scoped3A : memref<!tpu.dma_semaphore, #tpu.memory_space<semaphore_mem>>)
      %dma_wait3A = tpu.memref_slice %arg6[%mul3A_27] : memref<512xf32, #tpu.memory_space<hbm>> -> memref<16xf32, #tpu.memory_space<hbm>>
      %dma_wait3A_29 = tpu.memref_slice %arg6[%mul3A_27] : memref<512xf32, #tpu.memory_space<hbm>> -> memref<16xf32, #tpu.memory_space<hbm>>
      tpu.wait_dma2 semaphore(%run_scoped3A : memref<!tpu.dma_semaphore, #tpu.memory_space<semaphore_mem>>) src(%arg13 : memref<16xf32, #tpu.memory_space<vmem>>) dst(%dma_wait3A_29 : memref<16xf32, #tpu.memory_space<hbm>>)
      tpu.yield
    }) : () -> ()
    return
  }
}

module attributes {stable_mosaic.version = 14 : i64} {
  func.func @_sum_body(%arg0: memref<6x16x128xf32, #tpu.memory_space<vmem>>, %arg1: memref<4x128xf32, #tpu.memory_space<vmem>>, %arg2: memref<1x1xf32, #tpu.memory_space<smem>>) attributes {dimension_semantics = [], scalar_prefetch = 0 : i64, scratch_operands = 0 : i64, tpu.core_type = #tpu.core_type<tc>} {
    %get3A = arith.constant 0 : index
    %get3A_0 = arith.constant 0 : index
    %get3A_1 = arith.constant 0 : index
    %get3A_2 = vector.load %arg0[%get3A, %get3A_0, %get3A_1] : memref<6x16x128xf32, #tpu.memory_space<vmem>>, vector<6x16x128xf32>
    %reduce_sum3A = vector.shape_cast %get3A_2 : vector<6x16x128xf32> to vector<1x6x16x128xf32>
    %reduce_sum3A_3 = arith.constant dense<0.000000e+00> : vector<1xf32>
    %reduce_sum3A_4 = vector.multi_reduction <add>, %reduce_sum3A, %reduce_sum3A_3 [1, 2, 3] : vector<1x6x16x128xf32> to vector<1xf32>
    %reduce_sum3A_5 = vector.shape_cast %reduce_sum3A_4 : vector<1xf32> to vector<1x1x1x1xf32>
    %reduce_sum3A_6 = vector.extract %reduce_sum3A_5[0, 0, 0, 0] : f32 from vector<1x1x1x1xf32>
    %get3A_7 = arith.constant 0 : index
    %get3A_8 = arith.constant 0 : index
    %get3A_9 = vector.load %arg1[%get3A_7, %get3A_8] : memref<4x128xf32, #tpu.memory_space<vmem>>, vector<4x128xf32>
    %reduce_sum3A_10 = vector.shape_cast %get3A_9 : vector<4x128xf32> to vector<1x4x128xf32>
    %reduce_sum3A_11 = arith.constant dense<0.000000e+00> : vector<1xf32>
    %reduce_sum3A_12 = vector.multi_reduction <add>, %reduce_sum3A_10, %reduce_sum3A_11 [1, 2] : vector<1x4x128xf32> to vector<1xf32>
    %reduce_sum3A_13 = vector.shape_cast %reduce_sum3A_12 : vector<1xf32> to vector<1x1x1xf32>
    %reduce_sum3A_14 = vector.extract %reduce_sum3A_13[0, 0, 0] : f32 from vector<1x1x1xf32>
    %add3A = arith.addf %reduce_sum3A_6, %reduce_sum3A_14 : f32
    %mul3A = arith.constant 6.10351563E-5 : f32
    %mul3A_15 = arith.mulf %add3A, %mul3A : f32
    %swap3A = arith.constant 0 : index
    %swap3A_16 = arith.constant 0 : index
    %swap3A_17 = memref.load %arg2[%swap3A, %swap3A_16] : memref<1x1xf32, #tpu.memory_space<smem>>
    memref.store %mul3A_15, %arg2[%swap3A, %swap3A_16] : memref<1x1xf32, #tpu.memory_space<smem>>
    return
  }
}

module attributes {stable_mosaic.version = 14 : i64} {
  func.func @_tc_body(%arg0: i32, %arg1: memref<2048x100xf32, #tpu.memory_space<vmem>>, %arg2: memref<1x1x2048xi32, #tpu.memory_space<vmem>>, %arg3: memref<1x1x2048xf32, #tpu.memory_space<vmem>>, %arg4: memref<1x128xf32, #tpu.memory_space<vmem>>, %arg5: memref<1x16x128xf32, #tpu.memory_space<vmem>>) attributes {dimension_semantics = [#tpu.dimension_semantics<arbitrary>], iteration_bounds = array<i64: 6>, scalar_prefetch = 0 : i64, scratch_operands = 0 : i64, tpu.core_type = #tpu.core_type<tc>, window_params = [{transform_indices = @transform_0, window_bounds = array<i64: 2048, 100>}, {transform_indices = @transform_1, window_bounds = array<i64: 1, 1, 2048>}, {transform_indices = @transform_2, window_bounds = array<i64: 1, 1, 2048>}, {pipeline_mode = #tpu.pipeline_mode<synchronous>, transform_indices = @transform_3, window_bounds = array<i64: 1, 128>}, {transform_indices = @transform_4, window_bounds = array<i64: 1, 16, 128>}]} {
    %get3A = arith.constant 0 : index
    %get3A_0 = arith.constant 0 : index
    %get3A_1 = vector.load %arg1[%get3A, %get3A_0] : memref<2048x100xf32, #tpu.memory_space<vmem>>, vector<2048x100xf32>
    %get3A_2 = arith.constant 0 : index
    %get3A_3 = arith.constant 0 : index
    %get3A_4 = arith.constant 0 : index
    %get3A_5 = vector.load %arg2[%get3A_2, %get3A_3, %get3A_4] : memref<1x1x2048xi32, #tpu.memory_space<vmem>>, vector<1x1x2048xi32>
    %reshape3A = vector.shape_cast %get3A_5 : vector<1x1x2048xi32> to vector<2048x1xi32>
    %get3A_6 = arith.constant 0 : index
    %get3A_7 = arith.constant 0 : index
    %get3A_8 = arith.constant 0 : index
    %get3A_9 = vector.load %arg3[%get3A_6, %get3A_7, %get3A_8] : memref<1x1x2048xf32, #tpu.memory_space<vmem>>, vector<1x1x2048xf32>
    %reshape3A_10 = vector.shape_cast %get3A_9 : vector<1x1x2048xf32> to vector<2048x1xf32>
    %reduce_max3A = arith.constant dense<0xFF800000> : vector<2048xf32>
    %reduce_max3A_11 = vector.multi_reduction <maximumf>, %get3A_1, %reduce_max3A [1] : vector<2048x100xf32> to vector<2048xf32>
    %broadcast_in_dim3A = vector.shape_cast %reduce_max3A_11 : vector<2048xf32> to vector<2048x1xf32>
    %mul3A = arith.constant 3.000000e+01 : f32
    %mul3A_12 = vector.broadcast %mul3A : f32 to vector<2048x100xf32>
    %mul3A_13 = arith.mulf %mul3A_12, %get3A_1 : vector<2048x100xf32>
    %mul3A_14 = arith.constant 3.000000e+01 : f32
    %mul3A_15 = vector.broadcast %mul3A_14 : f32 to vector<2048x1xf32>
    %mul3A_16 = arith.mulf %mul3A_15, %broadcast_in_dim3A : vector<2048x1xf32>
    %sub3A = vector.broadcast %mul3A_16 : vector<2048x1xf32> to vector<2048x100xf32>
    %sub3A_17 = arith.subf %mul3A_13, %sub3A : vector<2048x100xf32>
    %exp3A = math.exp %sub3A_17 : vector<2048x100xf32>
    %reduce_sum3A = arith.constant dense<0.000000e+00> : vector<2048xf32>
    %reduce_sum3A_18 = vector.multi_reduction <add>, %exp3A, %reduce_sum3A [1] : vector<2048x100xf32> to vector<2048xf32>
    %broadcast_in_dim3A_19 = vector.shape_cast %reduce_sum3A_18 : vector<2048xf32> to vector<2048x1xf32>
    %iota3A = tpu.iota {dimensions = array<i32: 1>} : vector<2048x100xi32>
    %eq3A = vector.broadcast %reshape3A : vector<2048x1xi32> to vector<2048x100xi32>
    %eq3A_20 = arith.cmpi eq, %iota3A, %eq3A : vector<2048x100xi32>
    %jit3A = arith.constant 0.000000e+00 : f32
    %broadcast_in_dim3A_21 = vector.broadcast %jit3A : f32 to vector<2048x100xf32>
    %select_n3A = arith.select %eq3A_20, %get3A_1, %broadcast_in_dim3A_21 : vector<2048x100xi1>, vector<2048x100xf32>
    %reduce_sum3A_22 = arith.constant dense<0.000000e+00> : vector<2048xf32>
    %reduce_sum3A_23 = vector.multi_reduction <add>, %select_n3A, %reduce_sum3A_22 [1] : vector<2048x100xf32> to vector<2048xf32>
    %broadcast_in_dim3A_24 = vector.shape_cast %reduce_sum3A_23 : vector<2048xf32> to vector<2048x1xf32>
    %get3A_25 = arith.constant 0 : index
    %get3A_26 = arith.constant 0 : index
    %get3A_27 = vector.load %arg4[%get3A_25, %get3A_26] : memref<1x128xf32, #tpu.memory_space<vmem>>, vector<1x128xf32>
    %slice3A = vector.extract_strided_slice %get3A_27 {offsets = [0, 0], sizes = [1, 100], strides = [1, 1]} : vector<1x128xf32> to vector<1x100xf32>
    %broadcast_in_dim3A_28 = vector.shape_cast %slice3A : vector<1x100xf32> to vector<1x100xf32>
    %broadcast_in_dim3A_29 = vector.broadcast %broadcast_in_dim3A_28 : vector<1x100xf32> to vector<2048x100xf32>
    %jit3A_30 = arith.constant 0.000000e+00 : f32
    %broadcast_in_dim3A_31 = vector.broadcast %jit3A_30 : f32 to vector<2048x100xf32>
    %select_n3A_32 = arith.select %eq3A_20, %broadcast_in_dim3A_29, %broadcast_in_dim3A_31 : vector<2048x100xi1>, vector<2048x100xf32>
    %reduce_sum3A_33 = arith.constant dense<0.000000e+00> : vector<2048xf32>
    %reduce_sum3A_34 = vector.multi_reduction <add>, %select_n3A_32, %reduce_sum3A_33 [1] : vector<2048x100xf32> to vector<2048xf32>
    %broadcast_in_dim3A_35 = vector.shape_cast %reduce_sum3A_34 : vector<2048xf32> to vector<2048x1xf32>
    %mul3A_36 = arith.constant 3.000000e+01 : f32
    %mul3A_37 = vector.broadcast %mul3A_36 : f32 to vector<2048x1xf32>
    %mul3A_38 = arith.mulf %mul3A_37, %broadcast_in_dim3A_24 : vector<2048x1xf32>
    %mul3A_39 = arith.constant 3.000000e+01 : f32
    %mul3A_40 = vector.broadcast %mul3A_39 : f32 to vector<2048x1xf32>
    %mul3A_41 = arith.mulf %mul3A_40, %broadcast_in_dim3A : vector<2048x1xf32>
    %sub3A_42 = arith.subf %mul3A_38, %mul3A_41 : vector<2048x1xf32>
    %exp3A_43 = math.exp %sub3A_42 : vector<2048x1xf32>
    %sub3A_44 = arith.subf %broadcast_in_dim3A_19, %exp3A_43 : vector<2048x1xf32>
    %mul3A_45 = arith.constant 3.000000e+01 : f32
    %mul3A_46 = vector.broadcast %mul3A_45 : f32 to vector<2048x1xf32>
    %mul3A_47 = arith.mulf %mul3A_46, %broadcast_in_dim3A_35 : vector<2048x1xf32>
    %sub3A_48 = arith.subf %mul3A_38, %mul3A_47 : vector<2048x1xf32>
    %sub3A_49 = arith.subf %sub3A_48, %mul3A_41 : vector<2048x1xf32>
    %exp3A_50 = math.exp %sub3A_49 : vector<2048x1xf32>
    %add3A = arith.addf %sub3A_44, %exp3A_50 : vector<2048x1xf32>
    %log3A = math.log %add3A : vector<2048x1xf32>
    %add3A_51 = arith.addf %mul3A_41, %log3A : vector<2048x1xf32>
    %sub3A_52 = arith.subf %add3A_51, %mul3A_38 : vector<2048x1xf32>
    %mul3A_53 = arith.constant 3.000000e+01 : f32
    %mul3A_54 = vector.broadcast %mul3A_53 : f32 to vector<2048x1xf32>
    %mul3A_55 = arith.mulf %mul3A_54, %broadcast_in_dim3A_35 : vector<2048x1xf32>
    %add3A_56 = arith.addf %sub3A_52, %mul3A_55 : vector<2048x1xf32>
    %mul3A_57 = arith.mulf %add3A_56, %reshape3A_10 : vector<2048x1xf32>
    %reshape3A_58 = vector.shape_cast %mul3A_57 : vector<2048x1xf32> to vector<1x16x128xf32>
    %swap3A = arith.constant 0 : index
    %swap3A_59 = arith.constant 0 : index
    %swap3A_60 = arith.constant 0 : index
    %swap3A_61 = vector.load %arg5[%swap3A, %swap3A_59, %swap3A_60] : memref<1x16x128xf32, #tpu.memory_space<vmem>>, vector<1x16x128xf32>
    tpu.vector_store %arg5[%swap3A, %swap3A_59, %swap3A_60], %reshape3A_58 {strides = array<i32>} : memref<1x16x128xf32, #tpu.memory_space<vmem>>, vector<1x16x128xf32>,
    return
  }
  func.func @transform_0(%arg0: i32) -> (i32, i32) {
    %c0_i32 = arith.constant 0 : i32
    %c0_i32_0 = arith.constant 0 : i32
    return %arg0, %c0_i32 : i32, i32
  }
  func.func @transform_1(%arg0: i32) -> (i32, i32, i32) {
    %c0_i32 = arith.constant 0 : i32
    %c0_i32_0 = arith.constant 0 : i32
    %c0_i32_1 = arith.constant 0 : i32
    return %arg0, %c0_i32, %c0_i32_0 : i32, i32, i32
  }
  func.func @transform_2(%arg0: i32) -> (i32, i32, i32) {
    %c0_i32 = arith.constant 0 : i32
    %c0_i32_0 = arith.constant 0 : i32
    %c0_i32_1 = arith.constant 0 : i32
    return %arg0, %c0_i32, %c0_i32_0 : i32, i32, i32
  }
  func.func @transform_3(%arg0: i32) -> (i32, i32) {
    %c0_i32 = arith.constant 0 : i32
    %c0_i32_0 = arith.constant 0 : i32
    %c0_i32_1 = arith.constant 0 : i32
    return %c0_i32, %c0_i32_0 : i32, i32
  }
  func.func @transform_4(%arg0: i32) -> (i32, i32, i32) {
    %c0_i32 = arith.constant 0 : i32
    %c0_i32_0 = arith.constant 0 : i32
    %c0_i32_1 = arith.constant 0 : i32
    return %arg0, %c0_i32, %c0_i32_0 : i32, i32, i32
  }
}

</mosaic_0001>

<sc_bundles>
// kernel: kernel.5.cloned.1.call-start
scs
__scs_entry_jumppad:
0x0: {  	(pc) =	sbr.rel $0x88, $3  }
0x1: {  	(tag) =	ssettag $0x0;
	lr =	simm.s32 $0x1  }
0x2: {  	[smem:$0x3F9E] =	sst lr;
	_ =	strace $0xD0000000  }
0x3: {  	_ = 	snop  }
0x4: {  	_ = 	snop  }
0x5: {  	_ = 	snop  }
0x6: {  	_ = 	snop  }
0x7: {  	_ = 	snop  }
__scs_overlays_trampoline_lowered:
0x8: {  	[smem:$0x3FAD] =	sst s0  }
0x9: {  	[smem:$0x3FAE] =	sst s1  }
0xa: {  	[smem:$0x3FAF] =	sst s2  }
0xb: {  	[smem:$0x3FB0] =	sst s3  }
0xc: {  	[smem:$0x3FB1] =	sst s4  }
0xd: {  	[smem:$0x3FB2] =	sst s5  }
0xe: {  	[smem:$0x3FB3] =	sst s6  }
0xf: {  	[smem:$0x3FB4] =	sst s7  }
0x10: {  	[smem:$0x3FB5] =	sst s8  }
0x11: {  	[smem:$0x3FB6] =	sst s9;
	s0 =	simm.s32 @!p0 $0x0  }
0x12: {  	s1 =	sld [smem:$0x3F9C];
	s0 =	simm.s32 @p0 $0x1  }
0x13: {  	[smem:$0x3FB7] =	sst s0;
	s0 =	simm.s32 @!p1 $0x0  }
0x14: {  	s2 =	sld [smem:$0x3F9B];
	s0 =	simm.s32 @p1 $0x1  }
0x15: {  	[smem:$0x3FB8] =	sst s0;
	s0 =	simm.s32 @!p2 $0x0  }
0x16: {  	s3 =	sld [smem:$0x3FDB];
	s0 =	simm.s32 @p2 $0x1  }
0x17: {  	s4 =	simm.s32 $0x1BF5;
	[smem:$0x3FBA] =	sst s0  }
0x18: {  	s0 =	sld [smem:$0x3F9D];
	_ =	swait.ge [sflag:s4], $0x0  }
0x19: {  	s7 =	sld [smem:$0x3F9E]  }
0x1a: {  	s8 =	sadd.s32 $0xFFFFE003, lr  }
0x1b: {  	s9 =	sadd.s32 $0xFFFFFEF7, lr;
	s5 =	simm.s32 $0xFFFFFFFF;
	p2 =	slt.u32 s8, $0xFFFFF086  }
0x1c: {  	p1 =	slt.u32 s9, $0xF7A;
	s5 =	simm.s32 @!p2 $0x0  }
0x1d: {  	s5 =	simm.s32 @p1 $0x1;
	p0 =	seq.s32 s7, s2  }
0x1e: {  	s7 =	smul.u32 @!p0 $0xF7A, s2;
	p2 =	seq.s32 @!p0 s5, $0x0  }
0x1f: {  	s9 =	smul.u32 $0xF7A, s1;
	s8 =	simm.s32 @!p0 $0x1BF5;
	p2 =	por !p2, p0  }
0x20: {  	[sflag:s8] =	ssyncset.s32 @!p0 $0xFFFFF086;
	s6 =	sadd.s32 @!p0 s3, s7;
	s7 =	simm.s32 @!p0 $0x108  }
0x21: {  	s3 =	sadd.s32 s3, s9;
	s6 =	sadd.s32 @!p0 $0x88, s6;
	s7 =	simm.s32 @p2 $0x1082  }
0x22: {  	[simem:s7], [sflag:s8] =	dma.local @!p0 [hbm:s6], $0xF7A  }
0x23: {  	s9 =	sor.u32 $0xD0000000, s2;
	s6 =	simm.s32 $0x108;
	_ =	swait.ge @!p0 [sflag:s8], $0x0  }
0x24: {  	s3 =	sadd.s32 $0x88, s3;
	s6 =	simm.s32 @!p1 $0x1082;
	[sflag:s4] =	ssyncset.s32 $0xFFFFF086  }
0x25: {  	[simem:s6], [sflag:s4] =	dma.local [hbm:s3], $0xF7A  }
0x26: {  	[smem:$0x3F9E] =	sst s1;
	(tag) =	ssettag s2;
	_ =	strace s9  }
0x27: {  	s1 =	sld [smem:$0x3FAE]  }
0x28: {  	s2 =	sld [smem:$0x3FAF]  }
0x29: {  	s4 =	sld [smem:$0x3FB1]  }
0x2a: {  	p0 =	seq.s32 s5, $0x0;
	s5 =	sld [smem:$0x3FB2]  }
0x2b: {  	s6 =	sld [smem:$0x3FB3]  }
0x2c: {  	s7 =	sld [smem:$0x3FB4]  }
0x2d: {  	s3 =	simm.s32 $0x108;
	s8 =	sld [smem:$0x3FB5]  }
0x2e: {  	s3 =	simm.s32 @!p0 $0x1082;
	s9 =	sld [smem:$0x3FB6]  }
0x2f: {  	lr =	sadd.s32 s0, s3;
	s0 =	sld [smem:$0x3FAD]  }
0x30: {  	s3 =	sld [smem:$0x3FB0]  }
0x31: {  	[smem:$0x3FB9] =	sst s10  }
0x32: {  	s10 =	sld [smem:$0x3FB7];
	_ =	sdelay $0x3  }
0x33: {  	p0 =	seq.s32 s10, $0x1;
	s10 =	sld [smem:$0x3FB9];
	_ =	sdelay $0x3  }
0x34: {  	[smem:$0x3FB9] =	sst s10  }
0x35: {  	s10 =	sld [smem:$0x3FB8];
	_ =	sdelay $0x3  }
0x36: {  	p1 =	seq.s32 s10, $0x1;
	s10 =	sld [smem:$0x3FB9];
	_ =	sdelay $0x3  }
0x37: {  	[smem:$0x3FB9] =	sst s10  }
0x38: {  	s10 =	sld [smem:$0x3FBA]  }
0x39: {  	_ = 	snop;
	(pc) =	sbr.ind lr, $3  }
0x3a: {  	_ = 	snop  }
0x3b: {  	_ = 	snop  }
0x3c: {  	p2 =	seq.s32 s10, $0x1;
	s10 =	sld [smem:$0x3FB9]  }
0x3d: {  	_ =	shalt  }
0x3e: {  	_ =	shalt  }
0x3f: {  	_ =	shalt  }
0x40: {  	_ =	shalt  }
0x41: {  	_ =	shalt  }
0x42: {  	_ =	shalt  }
0x43: {  	_ =	shalt  }
0x44: {  	_ =	shalt  }
0x45: {  	_ =	shalt  }
0x46: {  	_ =	shalt  }
0x47: {  	_ =	shalt  }
0x48: {  	_ =	shalt  }
0x49: {  	_ =	shalt  }
0x4a: {  	_ =	shalt  }
0x4b: {  	_ =	shalt  }
0x4c: {  	_ =	shalt  }
0x4d: {  	_ =	shalt  }
0x4e: {  	_ =	shalt  }
0x4f: {  	_ =	shalt  }
0x50: {  	_ =	shalt  }
0x51: {  	_ =	shalt  }
0x52: {  	_ =	shalt  }
0x53: {  	_ =	shalt  }
0x54: {  	_ =	shalt  }
0x55: {  	_ =	shalt  }
0x56: {  	_ =	shalt  }
0x57: {  	_ =	shalt  }
0x58: {  	_ =	shalt  }
0x59: {  	_ =	shalt  }
0x5a: {  	_ =	shalt  }
0x5b: {  	_ =	shalt  }
0x5c: {  	_ =	shalt  }
0x5d: {  	_ =	shalt  }
0x5e: {  	_ =	shalt  }
0x5f: {  	_ =	shalt  }
0x60: {  	_ =	shalt  }
0x61: {  	_ =	shalt  }
0x62: {  	_ =	shalt  }
0x63: {  	_ =	shalt  }
0x64: {  	_ =	shalt  }
0x65: {  	_ =	shalt  }
0x66: {  	_ =	shalt  }
0x67: {  	_ =	shalt  }
0x68: {  	_ =	shalt  }
0x69: {  	_ =	shalt  }
0x6a: {  	_ =	shalt  }
0x6b: {  	_ =	shalt  }
0x6c: {  	_ =	shalt  }
0x6d: {  	_ =	shalt  }
0x6e: {  	_ =	shalt  }
0x6f: {  	_ =	shalt  }
0x70: {  	_ =	shalt  }
0x71: {  	_ =	shalt  }
0x72: {  	_ =	shalt  }
0x73: {  	_ =	shalt  }
0x74: {  	_ =	shalt  }
0x75: {  	_ =	shalt  }
0x76: {  	_ =	shalt  }
0x77: {  	_ =	shalt  }
0x78: {  	_ =	shalt  }
0x79: {  	_ =	shalt  }
0x7a: {  	_ =	shalt  }
0x7b: {  	_ =	shalt  }
0x7c: {  	_ =	shalt  }
0x7d: {  	_ =	shalt  }
0x7e: {  	_ =	shalt  }
0x7f: {  	_ =	shalt  }
0x80: {  	_ =	shalt  }
0x81: {  	_ =	shalt  }
0x82: {  	_ =	shalt  }
0x83: {  	_ =	shalt  }
0x84: {  	_ =	shalt  }
0x85: {  	_ =	shalt  }
0x86: {  	_ =	shalt  }
0x87: {  	_ =	shalt  }
.Lfunc_end0:
.L_simem_size_0:
called_computation_lowered:
.L_overlay_start_0:
0x88: {  	s2 =	sld [smem:$0x3FD9]  }
0x89: {  	s3 =	sld [smem:$0x3FFE];
	_ =	sdelay $0x1  }
0x8a: {  	s1 =	srdreg.scid  }
0x8b: {  	s0 =	sand.u32 $0x1, s1  }
0x8c: {  	s17 =	sshll.u32 s0, $0xA;
	s2 =	sadd.s32 s3, s2  }
0x8d: {  	s2 =	sadd.s32 s2, s17  }
0x8e: {  	[smem:$0x3FC5] =	sst s2  }
0x8f: {  	_ = 	snop  }
0x90: {  	s2 =	sld [smem:$0x3FC8]  }
0x91: {  	s18 =	sld [smem:$0x3FC7]  }
0x92: {  	s4 =	sld [smem:$0x3FD0];
	(tm) =	ssettm $0x1  }
0x93: {  	s5 =	sld [smem:$0x3FFB];
	_ =	sdelay $0x3  }
0x94: {  	_ =	strace s5  }
0x95: {  	s5 =	sld [smem:$0x3FFC];
	_ =	sdelay $0x3  }
0x96: {  	_ =	strace s5  }
0x97: {  	s5 =	sld [smem:$0x3FFD];
	_ =	sdelay $0x3  }
0x98: {  	_ =	strace s5  }
0x99: {  	_ =	strace $0x8FFFFFFF  }
0x9a: {  	s19 =	sld [smem:$0x3FDB];
	_ =	sdelay $0x1  }
0x9b: {  	s6 =	simm.s32 $_scs_section_size  }
0x9c: {  	s7 =	simm.s32 $_size__tile_overlayer_lowered;
	s8 =	simm.s32 $_tile_overlayer_lowered  }
0x9d: {  	s22 =	simm.s32 $0x1BFF;
	s21 =	sshll.u32 s8, $0x1;
	s5 =	sadd.s32 s6, s19  }
0x9e: {  	s9 =	simm.s32 $0x0;
	s20 =	sshll.u32 s7, $0x1;
	s7 =	sadd.s32 s21, s5  }
0x9f: {  	[timem:s9], [sflag:s22] =	dma.local [hbm:s7], s20  }
0xa0: {  	_ =	swait.ge [sflag:s22], s20  }
0xa1: {  	s6 =	ssub.s32 $0x0, s20;
	[sflag:s22] =	ssyncset.done $0x0  }
0xa2: {  	[sflag:s22] =	ssyncadd.s32 s6;
	_ =	sdelay $0x1  }
0xa3: {  	s23 =	simm.s32 $0x1B8B  }
0xa4: {  	_ =	swait.ge [sflag:s23], $0x1  }
0xa5: {  	[sflag:s23] =	ssyncset.done $0x0  }
0xa6: {  	s25 =	simm.s32 $0x1B8E;
	s24 =	sld [smem:$0x3FFE];
	[sflag:s23] =	ssyncadd.s32 $0xFFFFFFFF  }
0xa7: {  	s26 =	simm.s32 $execute0_lowered;
	[smem:$0x3FD2] =	sst s25  }
0xa8: {  	s7 =	sshll.u32 s26, $0x1;
	_ =	strace $0x80000046;
	[dreg:$0x1] =	wrdreg $0xFFFFFFFF  }
0xa9: {  	s28 =	simm.s32 $_size_execute0_lowered;
	s5 =	sadd.s32 s5, s7;
	[dreg:$0x0] =	wrdreg $0x0  }
0xaa: {  	s7 =	sshll.u32 s28, $0x1;
	[dreg:$0x2] =	wrdreg s5  }
0xab: {  	[dreg:$0x3] =	wrdreg s7  }
0xac: {  	[dreg:$0x4] =	wrdreg $0xC0  }
0xad: {  	_ =	task [dreg:s9], $0x5FFFF  }
0xae: {  	[dreg:$0x1] =	wrdreg $0xFFFFFFFF  }
0xaf: {  	[dreg:$0x0] =	wrdreg $0x60  }
0xb0: {  	[dreg:$0x2] =	wrdreg s24  }
0xb1: {  	[dreg:$0x3] =	wrdreg s2  }
0xb2: {  	[dreg:$0x4] =	wrdreg s18  }
0xb3: {  	[dreg:$0x5] =	wrdreg s4  }
0xb4: {  	[dreg:$0x6] =	wrdreg $0x9  }
0xb5: {  	_ =	task.clear_ibuf [dreg:s9], $0x7FFFF;
	_ =	strace $0x90000046  }
0xb6: {  	s29 =	simm.s32 $0x9;
	_ =	strace $0x80000048  }
0xb7: {  	_ =	swait.ge [sflag:s29], $0x1  }
0xb8: {  	[sflag:s29] =	ssyncadd.s32 $0xFFFFFFFF  }
0xb9: {  	_ =	strace $0x90000048  }
0xba: {  	_ =	sfence  }
0xbb: {  	s30 =	sld [smem:$0x0];
	_ =	sdelay $0x2  }
0xbc: {  	s31 =	sshll.u32 s1, $0xD;
	s1 =	sshrl.u32 s1, $0x2  }
0xbd: {  	s3 =	sand.u32 $0x4000, s31;
	s1 =	sadd.s32 s1, s30  }
0xbe: {  	s0 =	sor.u32 s3, s0;
	s1 =	sshll.u32 s1, $0x11  }
0xbf: {  	s0 =	sor.u32 s1, s0  }
0xc0: {  	s0 =	sadd.s32 $0x8F2B, s0  }
0xc1: {  	[sflag:s0] =	ssyncadd.remote.s32 $0x1  }
0xc2: {  	_ =	sfence.sel $0xFFFF  }
0xc3: {  	[dreg:$0x0] =	wrdreg $0xFFFFFFFF;
	(pc) =	sbr.abs _section_cstart, $3  }
0xc4: {  	[dreg:$0x1] =	wrdreg $0xFFFFFFFF  }
0xc5: {  	_ =	task.clear_ibuf [dreg:s9], $0x2FFFF;
	_ =	strace $0x9FFFFFFF  }
0xc6: {  	(tm) =	ssettm $0x7FFFFFFF  }
0xc7: {  	_ =	shalt  }
tec
execute0_lowered:
.L_overlay_start_1:
0x0: {  	(tag) =	ssettag $0x1  }
0x1: {  	s4 =	rddreg [dreg:$0x0]  }
0x2: {  	s5 =	rddreg [dreg:$0x1]  }
0x3: {  	s1 =	srdreg.scid;
	s6 =	rddreg [dreg:$0x2]  }
0x4: {  	s0 =	stileid.u32;
	s2 =	rddreg [dreg:$0x3];
	s3 =	simm.s32 $0x0  }
0x5: {  	s12 =	simm.s32 $0x4100;
	s13 =	simm.s32 $0x4380;
	s14 =	simm.s32 $0x0  }
0x6: {  	s7 =	sand.u32 $0x1, s1;
	s30 =	sshll.u32 s0, $0x1;
	[smem:$0x7FF] =	sst s3  }
0x7: {  	s1 =	rddreg [dreg:$0x4];
	s8 =	sor.u32 s7, s30;
	_ =	strace $0x80000047  }
0x8: {  	s7 =	ssub.s32 $0x2, s7;
	s9 =	sshll.u32 s8, $0x7;
	s8 =	sshll.u32 s8, $0x1  }
0x9: {  	s31 =	sshrl.u32 s7, $0x1;
	s9 =	sor.u32 $0x3000, s9;
	s8 =	sadd.s32 s8, s4  }
0xa: {  	s11 =	ssub.s32 s7, s31;
	s10 =	sshll.u32 s9, $0x4;
	s9 =	sshrl.u32 s9, $0x3  }
0xb: {  	s7 =	sadd.s32 $0x41000, s8;
	s8 =	smax.u32 s11, $0x1;
	s11 =	simm.s32 $0x4080  }
0xc: {  	vm0 =	vmmov $0xfff;
	v0 =	vimm.s32 $0xF;
	v1 =	vlaneseq.u32;
	s10 =	sadd.s32 s10, s4;
	s5 =	sadd.s32 s5, s9;
	s6 =	sadd.s32 s6, s9  }
0xd: {  	vm1 =	vcmask $0x3F3C;
	v2 =	vimm.s32 $0x0;
	v1 =	vmul.u32 $0x80, v1;
	s9 =	simm.s32 $0x1;
	s4 =	sadd.s32 $0x1000, s10;
	s10 =	simm.s32 $0x4000  }
.LBB2_1:
0xe: {  	[tilespmem:s3], [sflag:$0x1] =	stream.linear.gather [hbm4b:s4+s3], $0x4000, $0x38;
	[tilespmem:$0x4400] =	vst v63  }
0xf: {  	_ =	swait.ge [sflag:s9], $0x4000  }
0x10: {  	[sflag:s9] =	ssyncset.done $0x0  }
0x11: {  	[sflag:s9] =	ssyncadd.s32 $0xFFFFC000  }
0x12: {  	[tilespmem:s10], [sflag:$0x1] =	stream.linear.gather [hbm4b:s5+s3], $0x80, $0x38;
	[tilespmem:$0x4400] =	vst v63  }
0x13: {  	_ =	swait.ge [sflag:s9], $0x80  }
0x14: {  	[sflag:s9] =	ssyncset.done $0x0  }
0x15: {  	[sflag:s9] =	ssyncadd.s32 $0xFFFFFF80  }
0x16: {  	[tilespmem:s11], [sflag:$0x1] =	stream.linear.gather [hbm4b:s6+s3], $0x80, $0x38;
	[tilespmem:$0x4400] =	vst v63  }
0x17: {  	_ =	swait.ge [sflag:s9], $0x80  }
0x18: {  	[sflag:s9] =	ssyncset.done $0x0  }
0x19: {  	[sflag:s9] =	ssyncadd.s32 $0xFFFFFF80  }
0x1a: {  	[tilespmem:s12], [sflag:$0x1] =	stream.linear.gather [hbm4b:s2+s3], $0x80, $0x38;
	[tilespmem:$0x4400] =	vst v63  }
0x1b: {  	_ =	swait.ge [sflag:s9], $0x80  }
0x1c: {  	[sflag:s9] =	ssyncset.done $0x0  }
0x1d: {  	s15 =	simm.s32 $0x100;
	s16 =	simm.s32 $0x0;
	[sflag:s9] =	ssyncadd.s32 $0xFFFFFF80  }
.LBB2_2:
0x1e: {  	v3 =	vld [tilespmem:s15+$0xFFFFFF00]  }
0x1f: {  	v4 =	vld [tilespmem:s15+$0xFFFFFF10]  }
0x20: {  	v5 =	vld [tilespmem:s15+$0xFFFFFF20]  }
0x21: {  	v6 =	vld [tilespmem:s15+$0xFFFFFF30]  }
0x22: {  	v7 =	vld [tilespmem:s15+$0xFFFFFF40]  }
0x23: {  	v8 =	vld [tilespmem:s15+$0xFFFFFF54]  }
0x24: {  	v9 =	vld [tilespmem:s15+$0xFFFFFF50];
	_ =	sdelay $0x3  }
0x25: {  	v8 =	vsel vm0, $0xF149F2CA, v8  }
0x26: {  	v10 =	vmax.f32 v3, v4;
	v11 =	vmax.f32 v5, v6;
	v12 =	vmax.f32 v7, v9  }
0x27: {  	v10 =	vmax.f32 v10, v11;
	v21 =	vmax.f32 v12, v8  }
0x28: {  	v10 =	vmax.f32 v10, v21  }
0x29: {  	(xrf0) =	vmax.scan.msk.f32 $0xffff, v10;
	_ =	sdelay $0x5  }
0x2a: {  	v10, _, _ =	vpop (xrf0)  }
0x2b: {  	v10 =	vperm.xlane v10, v0;
	_ =	sdelay $0x1  }
0x2c: {  	v3 =	vmul.f32 $3.000000000e+01, v3;
	v10 =	vmul.f32 $3.000000000e+01, v10;
	_ =	sdelay $0x1  }
0x2d: {  	v4 =	vmul.f32 $3.000000000e+01, v4;
	v3 =	vsub.f32 v3, v10  }
0x2e: {  	v5 =	vmul.f32 $3.000000000e+01, v5  }
0x2f: {  	v6 =	vmul.f32 $3.000000000e+01, v6;
	v4 =	vsub.f32 v4, v10;
	v3 =	vmul.f32 $1.442695020e+00, v3  }
0x30: {  	v7 =	vmul.f32 $3.000000000e+01, v7;
	v22 =	vmul.f32 $3.000000000e+01, v9;
	v5 =	vsub.f32 v5, v10  }
0x31: {  	v4 =	vmul.f32 $1.442695020e+00, v4;
	(erf) = vpow2.f32 v3;
	v3 =	vsub.f32 v6, v10  }
0x32: {  	v25 =	vmul.f32 $3.000000000e+01, v8;
	v24 =	vsub.f32 v7, v10;
	v23 =	vmul.f32 $1.442695020e+00, v5  }
0x33: {  	v6 =	vsub.f32 v22, v10;
	(erf) = vpow2.f32 v4;
	v3 =	vmul.f32 $1.442695020e+00, v3  }
0x34: {  	v26 =	vmul.f32 $1.442695020e+00, v24;
	(erf) = vpow2.f32 v23  }
0x35: {  	v27 =	vsub.f32 v25, v10;
	(erf) = vpow2.f32 v3;
	v3 =	vmul.f32 $1.442695020e+00, v6  }
0x36: {  	(erf) = vpow2.f32 v26  }
0x37: {  	(erf) = vpow2.f32 v3;
	v3 =	vmul.f32 $1.442695020e+00, v27;
	_ =	sdelay $0x1  }
0x38: {  	(erf) = vpow2.f32 v3;
	_ =	sdelay $0x1  }
0x39: {  	v3 =	vpop (erf)  }
0x3a: {  	v28 =	vpop (erf)  }
0x3b: {  	v29 =	vpop (erf)  }
0x3c: {  	v30 =	vpop (erf)  }
0x3d: {  	v31 =	vpop (erf)  }
0x3e: {  	v3 =	vadd.f32 v28, v3;
	v32 =	vpop (erf)  }
0x3f: {  	v33 =	vadd.f32 v30, v29;
	v34 =	vadd.f32 v32, v31  }
0x40: {  	v35 =	vpop (erf)  }
0x41: {  	v3 =	vadd.f32 v33, v3;
	v36 =	vadd.f32 v34, v35;
	_ =	sdelay $0x1  }
0x42: {  	v3 =	vadd.f32 v36, v3;
	_ =	sdelay $0x1  }
0x43: {  	(xrf2) =	vadd.scan.msk.f32 $0xffff, v3;
	_ =	sdelay $0x8  }
0x44: {  	s17 =	sshra.s32 s16, $0x2  }
0x45: {  	[tilespmem:s17+$0x4180] =	vst.msk $0x1, v10;
	v3, _, _ =	vpop (xrf2)  }
0x46: {  	[tilespmem:s17+$0x4280] =	vst.msk vm1, v3  }
0x47: {  	v3 =	vld [tilespmem:s15+$0xFFFFFF80]  }
0x48: {  	v37 =	vld [tilespmem:s15+$0xFFFFFF90]  }
0x49: {  	v38 =	vld [tilespmem:s15+$0xFFFFFFA0]  }
0x4a: {  	v39 =	vld [tilespmem:s15+$0xFFFFFFB0]  }
0x4b: {  	v40 =	vld [tilespmem:s15+$0xFFFFFFC0]  }
0x4c: {  	v41 =	vld [tilespmem:s15+$0xFFFFFFD4]  }
0x4d: {  	v42 =	vld [tilespmem:s15+$0xFFFFFFD0];
	_ =	sdelay $0x3  }
0x4e: {  	v8 =	vsel vm0, $0xF149F2CA, v41  }
0x4f: {  	v43 =	vmax.f32 v3, v37;
	v44 =	vmax.f32 v38, v39;
	v45 =	vmax.f32 v40, v42  }
0x50: {  	v10 =	vmax.f32 v43, v44;
	v46 =	vmax.f32 v45, v8  }
0x51: {  	v10 =	vmax.f32 v10, v46  }
0x52: {  	(xrf0) =	vmax.scan.msk.f32 $0xffff, v10;
	_ =	sdelay $0x5  }
0x53: {  	v10, _, _ =	vpop (xrf0)  }
0x54: {  	v10 =	vperm.xlane v10, v0;
	_ =	sdelay $0x1  }
0x55: {  	v3 =	vmul.f32 $3.000000000e+01, v3;
	v10 =	vmul.f32 $3.000000000e+01, v10;
	_ =	sdelay $0x1  }
0x56: {  	v4 =	vmul.f32 $3.000000000e+01, v37;
	v3 =	vsub.f32 v3, v10  }
0x57: {  	v5 =	vmul.f32 $3.000000000e+01, v38  }
0x58: {  	v6 =	vmul.f32 $3.000000000e+01, v39;
	v4 =	vsub.f32 v4, v10;
	v3 =	vmul.f32 $1.442695020e+00, v3  }
0x59: {  	v7 =	vmul.f32 $3.000000000e+01, v40;
	v47 =	vmul.f32 $3.000000000e+01, v42;
	v5 =	vsub.f32 v5, v10  }
0x5a: {  	v4 =	vmul.f32 $1.442695020e+00, v4;
	(erf) = vpow2.f32 v3;
	v3 =	vsub.f32 v6, v10  }
0x5b: {  	v50 =	vmul.f32 $3.000000000e+01, v8;
	v49 =	vsub.f32 v7, v10;
	v48 =	vmul.f32 $1.442695020e+00, v5  }
0x5c: {  	v6 =	vsub.f32 v47, v10;
	(erf) = vpow2.f32 v4;
	v3 =	vmul.f32 $1.442695020e+00, v3  }
0x5d: {  	v51 =	vmul.f32 $1.442695020e+00, v49;
	(erf) = vpow2.f32 v48  }
0x5e: {  	v52 =	vsub.f32 v50, v10;
	(erf) = vpow2.f32 v3;
	v3 =	vmul.f32 $1.442695020e+00, v6  }
0x5f: {  	(erf) = vpow2.f32 v51  }
0x60: {  	(erf) = vpow2.f32 v3;
	v3 =	vmul.f32 $1.442695020e+00, v52;
	_ =	sdelay $0x1  }
0x61: {  	(erf) = vpow2.f32 v3;
	_ =	sdelay $0x1  }
0x62: {  	v3 =	vpop (erf)  }
0x63: {  	v53 =	vpop (erf)  }
0x64: {  	v54 =	vpop (erf)  }
0x65: {  	v55 =	vpop (erf)  }
0x66: {  	v56 =	vpop (erf)  }
0x67: {  	v3 =	vadd.f32 v53, v3;
	v57 =	vpop (erf)  }
0x68: {  	v58 =	vadd.f32 v55, v54;
	v59 =	vadd.f32 v57, v56  }
0x69: {  	v60 =	vpop (erf)  }
0x6a: {  	v3 =	vadd.f32 v58, v3;
	v61 =	vadd.f32 v59, v60;
	_ =	sdelay $0x1  }
0x6b: {  	v3 =	vadd.f32 v61, v3;
	_ =	sdelay $0x1  }
0x6c: {  	(xrf2) =	vadd.scan.msk.f32 $0xffff, v3;
	_ =	sdelay $0x9  }
0x6d: {  	[tilespmem:s17+$0x4181] =	vst.msk $0x1, v10;
	v3, _, _ =	vpop (xrf2)  }
0x6e: {  	[tilespmem:s17+$0x4281] =	vst.msk vm1, v3  }
0x6f: {  	v3 =	vld [tilespmem:s15+$0x0]  }
0x70: {  	v62 =	vld [tilespmem:s15+$0x10]  }
0x71: {  	v63 =	vld [tilespmem:s15+$0x20]  }
0x72: {  	v16 =	vld [tilespmem:s15+$0x30]  }
0x73: {  	v17 =	vld [tilespmem:s15+$0x40]  }
0x74: {  	v18 =	vld [tilespmem:s15+$0x54]  }
0x75: {  	v19 =	vld [tilespmem:s15+$0x50];
	_ =	sdelay $0x3  }
0x76: {  	v8 =	vsel vm0, $0xF149F2CA, v18  }
0x77: {  	v20 =	vmax.f32 v3, v62;
	v21 =	vmax.f32 v63, v16;
	v22 =	vmax.f32 v17, v19  }
0x78: {  	v10 =	vmax.f32 v20, v21;
	v23 =	vmax.f32 v22, v8  }
0x79: {  	v10 =	vmax.f32 v10, v23  }
0x7a: {  	(xrf0) =	vmax.scan.msk.f32 $0xffff, v10;
	_ =	sdelay $0x5  }
0x7b: {  	v10, _, _ =	vpop (xrf0)  }
0x7c: {  	v10 =	vperm.xlane v10, v0;
	_ =	sdelay $0x1  }
0x7d: {  	v3 =	vmul.f32 $3.000000000e+01, v3;
	v10 =	vmul.f32 $3.000000000e+01, v10;
	_ =	sdelay $0x1  }
0x7e: {  	v4 =	vmul.f32 $3.000000000e+01, v62;
	v3 =	vsub.f32 v3, v10  }
0x7f: {  	v5 =	vmul.f32 $3.000000000e+01, v63  }
0x80: {  	v6 =	vmul.f32 $3.000000000e+01, v16;
	v4 =	vsub.f32 v4, v10;
	v3 =	vmul.f32 $1.442695020e+00, v3  }
0x81: {  	v7 =	vmul.f32 $3.000000000e+01, v17;
	v24 =	vmul.f32 $3.000000000e+01, v19;
	v5 =	vsub.f32 v5, v10  }
0x82: {  	v4 =	vmul.f32 $1.442695020e+00, v4;
	(erf) = vpow2.f32 v3;
	v3 =	vsub.f32 v6, v10  }
0x83: {  	v27 =	vmul.f32 $3.000000000e+01, v8;
	v26 =	vsub.f32 v7, v10;
	v25 =	vmul.f32 $1.442695020e+00, v5  }
0x84: {  	v6 =	vsub.f32 v24, v10;
	(erf) = vpow2.f32 v4;
	v3 =	vmul.f32 $1.442695020e+00, v3  }
0x85: {  	v28 =	vmul.f32 $1.442695020e+00, v26;
	(erf) = vpow2.f32 v25  }
0x86: {  	v29 =	vsub.f32 v27, v10;
	(erf) = vpow2.f32 v3;
	v3 =	vmul.f32 $1.442695020e+00, v6  }
0x87: {  	(erf) = vpow2.f32 v28  }
0x88: {  	(erf) = vpow2.f32 v3;
	v3 =	vmul.f32 $1.442695020e+00, v29;
	_ =	sdelay $0x1  }
0x89: {  	(erf) = vpow2.f32 v3;
	_ =	sdelay $0x1  }
0x8a: {  	v3 =	vpop (erf)  }
0x8b: {  	v30 =	vpop (erf)  }
0x8c: {  	v31 =	vpop (erf)  }
0x8d: {  	v32 =	vpop (erf)  }
0x8e: {  	v33 =	vpop (erf)  }
0x8f: {  	v3 =	vadd.f32 v30, v3;
	v34 =	vpop (erf)  }
0x90: {  	v35 =	vadd.f32 v32, v31;
	v36 =	vadd.f32 v34, v33  }
0x91: {  	v37 =	vpop (erf)  }
0x92: {  	v3 =	vadd.f32 v35, v3;
	v38 =	vadd.f32 v36, v37;
	_ =	sdelay $0x1  }
0x93: {  	v3 =	vadd.f32 v38, v3;
	_ =	sdelay $0x1  }
0x94: {  	(xrf2) =	vadd.scan.msk.f32 $0xffff, v3;
	_ =	sdelay $0x9  }
0x95: {  	[tilespmem:s17+$0x4182] =	vst.msk $0x1, v10;
	v3, _, _ =	vpop (xrf2)  }
0x96: {  	[tilespmem:s17+$0x4282] =	vst.msk vm1, v3  }
0x97: {  	v3 =	vld [tilespmem:s15+$0x80]  }
0x98: {  	v39 =	vld [tilespmem:s15+$0x90]  }
0x99: {  	v40 =	vld [tilespmem:s15+$0xA0]  }
0x9a: {  	v41 =	vld [tilespmem:s15+$0xB0]  }
0x9b: {  	v42 =	vld [tilespmem:s15+$0xC0]  }
0x9c: {  	v43 =	vld [tilespmem:s15+$0xD4]  }
0x9d: {  	v44 =	vld [tilespmem:s15+$0xD0];
	_ =	sdelay $0x3  }
0x9e: {  	v8 =	vsel vm0, $0xF149F2CA, v43  }
0x9f: {  	v45 =	vmax.f32 v3, v39;
	v46 =	vmax.f32 v40, v41;
	v47 =	vmax.f32 v42, v44  }
0xa0: {  	v10 =	vmax.f32 v45, v46;
	v48 =	vmax.f32 v47, v8  }
0xa1: {  	v10 =	vmax.f32 v10, v48  }
0xa2: {  	(xrf0) =	vmax.scan.msk.f32 $0xffff, v10;
	_ =	sdelay $0x5  }
0xa3: {  	v10, _, _ =	vpop (xrf0)  }
0xa4: {  	v10 =	vperm.xlane v10, v0;
	_ =	sdelay $0x1  }
0xa5: {  	v3 =	vmul.f32 $3.000000000e+01, v3;
	v10 =	vmul.f32 $3.000000000e+01, v10;
	_ =	sdelay $0x1  }
0xa6: {  	v4 =	vmul.f32 $3.000000000e+01, v39;
	v3 =	vsub.f32 v3, v10  }
0xa7: {  	v5 =	vmul.f32 $3.000000000e+01, v40  }
0xa8: {  	v6 =	vmul.f32 $3.000000000e+01, v41;
	v4 =	vsub.f32 v4, v10;
	v3 =	vmul.f32 $1.442695020e+00, v3  }
0xa9: {  	v7 =	vmul.f32 $3.000000000e+01, v42;
	v49 =	vmul.f32 $3.000000000e+01, v44;
	v5 =	vsub.f32 v5, v10  }
0xaa: {  	v4 =	vmul.f32 $1.442695020e+00, v4;
	(erf) = vpow2.f32 v3;
	v3 =	vsub.f32 v6, v10  }
0xab: {  	v52 =	vmul.f32 $3.000000000e+01, v8;
	v51 =	vsub.f32 v7, v10;
	v50 =	vmul.f32 $1.442695020e+00, v5  }
0xac: {  	v6 =	vsub.f32 v49, v10;
	(erf) = vpow2.f32 v4;
	v3 =	vmul.f32 $1.442695020e+00, v3  }
0xad: {  	v53 =	vmul.f32 $1.442695020e+00, v51;
	(erf) = vpow2.f32 v50  }
0xae: {  	v54 =	vsub.f32 v52, v10;
	(erf) = vpow2.f32 v3;
	v3 =	vmul.f32 $1.442695020e+00, v6  }
0xaf: {  	(erf) = vpow2.f32 v53  }
0xb0: {  	(erf) = vpow2.f32 v3;
	v3 =	vmul.f32 $1.442695020e+00, v54;
	_ =	sdelay $0x1  }
0xb1: {  	(erf) = vpow2.f32 v3;
	_ =	sdelay $0x1  }
0xb2: {  	v3 =	vpop (erf)  }
0xb3: {  	v55 =	vpop (erf)  }
0xb4: {  	v56 =	vpop (erf)  }
0xb5: {  	v57 =	vpop (erf)  }
0xb6: {  	v58 =	vpop (erf)  }
0xb7: {  	v3 =	vadd.f32 v55, v3;
	v59 =	vpop (erf)  }
0xb8: {  	v60 =	vadd.f32 v57, v56;
	v61 =	vadd.f32 v59, v58  }
0xb9: {  	v62 =	vpop (erf)  }
0xba: {  	v3 =	vadd.f32 v60, v3;
	v63 =	vadd.f32 v61, v62;
	_ =	sdelay $0x1  }
0xbb: {  	v3 =	vadd.f32 v63, v3;
	_ =	sdelay $0x1  }
0xbc: {  	(xrf2) =	vadd.scan.msk.f32 $0xffff, v3;
	_ =	sdelay $0x5  }
0xbd: {  	p0 =	sne.s32 s16, $0x1F0  }
.Ltmp0:
0xbe: {  	_ = 	snop;
	(pc) =	sbr.rel @p0 .LBB2_2-.Ltmp0, $3  }
0xbf: {  	_ =	sdelay $0x1  }
0xc0: {  	[tilespmem:s17+$0x4183] =	vst.msk $0x1, v10;
	v3, _, _ =	vpop (xrf2)  }
0xc1: {  	s16 =	sadd.s32 $0x10, s16;
	s15 =	sadd.s32 $0x200, s15;
	[tilespmem:s17+$0x4283] =	vst.msk vm1, v3  }
0xc2: {  	s15 =	simm.s32 $0x4000  }
0xc3: {  	v3 =	vld [tilespmem:s15+$0x0];
	_ =	sdelay $0x1  }
0xc4: {  	s30 =	simm.s32 $0x0  }
0xc5: {  	v4 =	vmov s30  }
0xc6: {  	v4 =	vshll.u32 v4, $0x7  }
0xc7: {  	v4 =	vor.u32 v1, v4;
	v5 =	vand.u32 $0xFFFFFF80, v3  }
0xc8: {  	v6 =	vand.u32 $0x7F, v3;
	v4 =	vadd.s32 v4, v5  }
0xc9: {  	v4 =	vor.u32 v6, v4;
	_ =	sdelay $0x3  }
0xca: {  	v3 =	vld.idx.msk [tilespmem:v3+s12+$0x0], $0xffff  }
0xcb: {  	v4 =	vld.idx.msk [tilespmem:v4+s3+$0x0], $0xffff  }
0xcc: {  	s16 =	simm.s32 $0x4180  }
0xcd: {  	s31 =	simm.s32 $0x4010;
	v17 =	vld [tilespmem:s16+$0x0]  }
0xce: {  	v5 =	vld [tilespmem:s31+$0x0];
	_ =	sdelay $0x1  }
0xcf: {  	s17 =	simm.s32 $0x10;
	v19 =	vmul.f32 $3.000000000e+01, v3;
	v21 =	vmul.f32 $3.000000000e+01, v4  }
0xd0: {  	v6 =	vmov s17  }
0xd1: {  	v3 =	vshll.u32 v6, $0x7;
	v6 =	vsub.f32 v21, v17;
	v7 =	vsub.f32 v21, v19  }
0xd2: {  	v8 =	vand.u32 $0x7F, v5;
	v3 =	vor.u32 v1, v3;
	v4 =	vand.u32 $0xFFFFFF80, v5  }
0xd3: {  	v3 =	vadd.s32 v3, v4;
	v4 =	vmul.f32 $1.442695020e+00, v6;
	v6 =	vsub.f32 v7, v17  }
0xd4: {  	v3 =	vor.u32 v8, v3  }
0xd5: {  	(erf) = vpow2.f32 v4;
	v4 =	vmul.f32 $1.442695020e+00, v6;
	_ =	sdelay $0x1  }
0xd6: {  	s20 =	simm.s32 $0x4190;
	(erf) = vpow2.f32 v4  }
0xd7: {  	v10 =	vld [tilespmem:s20+$0x0]  }
0xd8: {  	s19 =	simm.s32 $0x4280;
	v3 =	vld.idx.msk [tilespmem:v3+s3+$0x0], $0xffff  }
0xd9: {  	v7 =	vld [tilespmem:s19+$0x0]  }
0xda: {  	s18 =	simm.s32 $0x4020;
	v5 =	vld.idx.msk [tilespmem:v5+s12+$0x0], $0xffff  }
0xdb: {  	s21 =	simm.s32 $0x20;
	v4 =	vld [tilespmem:s18+$0x0]  }
0xdc: {  	v9 =	vmov s21  }
0xdd: {  	v6 =	vmul.f32 $3.000000000e+01, v3;
	v8 =	vpop (erf)  }
0xde: {  	v3 =	vsub.f32 v7, v8  }
0xdf: {  	v5 =	vmul.f32 $3.000000000e+01, v5;
	v11 =	vsub.f32 v6, v10;
	v7 =	vshll.u32 v9, $0x7;
	v9 =	vpop (erf)  }
0xe0: {  	v8 =	vand.u32 $0xFFFFFF80, v4;
	v7 =	vor.u32 v1, v7;
	v12 =	vadd.f32 v9, v3  }
0xe1: {  	v3 =	vand.u32 $0x7F, v4;
	v7 =	vadd.s32 v7, v8;
	v8 =	vsub.f32 v6, v5  }
0xe2: {  	v3 =	vor.u32 v3, v7;
	v7 =	vand.u32 $0x7FFFFF, v12  }
0xe3: {  	v9 =	vmul.f32 $1.442695020e+00, v11;
	v8 =	vsub.f32 v8, v10;
	v7 =	vor.u32 $0x3F800000, v7  }
0xe4: {  	v11 =	vmul.f32 $5.000000000e-01, v7  }
0xe5: {  	s22 =	simm.s32 $0x4030;
	v13 =	vld.idx.msk [tilespmem:v4+s12+$0x0], $0xffff;
	(erf) = vpow2.f32 v9;
	v8 =	vmul.f32 $1.442695020e+00, v8;
	vm2 =	vgt.f32 v7, $1.414213540e+00  }
0xe6: {  	v9 =	vld [tilespmem:s22+$0x0];
	v7 =	vsel vm2, v11, v7  }
0xe7: {  	v3 =	vld.idx.msk [tilespmem:v3+s3+$0x0], $0xffff;
	(erf) = vpow2.f32 v8;
	v8 =	vadd.f32 $1.000000000e+00, v7  }
0xe8: {  	s25 =	simm.s32 $0x30  }
0xe9: {  	s23 =	simm.s32 $0x4290;
	v4 =	vmov s25;
	(erf) = vrcp.f32 v8  }
0xea: {  	s24 =	simm.s32 $0x41A0;
	v14 =	vshll.u32 v4, $0x7;
	v8 =	vld [tilespmem:s23+$0x0]  }
0xeb: {  	v14 =	vor.u32 v1, v14;
	v11 =	vld [tilespmem:s24+$0x0]  }
0xec: {  	v16 =	vand.u32 $0xFFFFFF80, v9;
	v4 =	vmul.f32 $3.000000000e+01, v3;
	v3 =	vmul.f32 $3.000000000e+01, v13  }
0xed: {  	v14 =	vadd.s32 v14, v16  }
0xee: {  	v15 =	vpop (erf);
	v16 =	vsub.f32 v4, v3  }
0xef: {  	v13 =	vand.u32 $0x7F, v9;
	v8 =	vsub.f32 v8, v15  }
0xf0: {  	v13 =	vor.u32 v13, v14;
	v15 =	vsub.f32 v4, v11;
	v14 =	vpop (erf)  }
0xf1: {  	v7 =	vadd.f32 $-1.000000000e+00, v7;
	v14 =	vadd.f32 v14, v8  }
0xf2: {  	v8 =	vmul.f32 $1.442695020e+00, v15;
	v15 =	vsub.f32 v16, v11;
	v16 =	vpop (erf)  }
0xf3: {  	v18 =	vand.u32 $0x7FFFFF, v14;
	v23 =	vmul.f32 v16, v7  }
0xf4: {  	(erf) = vpow2.f32 v8;
	v7 =	vmul.f32 $1.442695020e+00, v15;
	v8 =	vor.u32 $0x3F800000, v18  }
0xf5: {  	v9 =	vld.idx.msk [tilespmem:v9+s12+$0x0], $0xffff;
	v15 =	vmul.f32 $5.000000000e-01, v8;
	v16 =	vmul.f32 v23, v23  }
0xf6: {  	s26 =	simm.s32 $0x4040;
	v13 =	vld.idx.msk [tilespmem:v13+s3+$0x0], $0xffff;
	vm3 =	vgt.f32 v8, $1.414213540e+00  }
0xf7: {  	v24 =	vld [tilespmem:s26+$0x0];
	v18 =	vsel vm3, v15, v8;
	v8 =	vmul.f32 $2.222222240e-01, v16  }
0xf8: {  	s28 =	simm.s32 $0x41B0;
	(erf) = vpow2.f32 v7;
	v15 =	vadd.f32 $1.000000000e+00, v18  }
0xf9: {  	s30 =	simm.s32 $0x40;
	v7 =	vld [tilespmem:s28+$0x0];
	v20 =	vadd.f32 $2.857142980e-01, v8  }
0xfa: {  	s29 =	simm.s32 $0x42A0;
	v9 =	vmul.f32 $3.000000000e+01, v9;
	(erf) = vrcp.f32 v15;
	v15 =	vmov s30  }
0xfb: {  	v22 =	vld [tilespmem:s29+$0x0];
	v8 =	vmul.f32 $3.000000000e+01, v13;
	v15 =	vshll.u32 v15, $0x7;
	v13 =	vmul.f32 v20, v16  }
0xfc: {  	v20 =	vand.u32 $0xFFFFFF80, v24;
	v15 =	vor.u32 v1, v15  }
0xfd: {  	v15 =	vadd.s32 v15, v20;
	v20 =	vsub.f32 v8, v9;
	v13 =	vadd.f32 $4.000000060e-01, v13  }
0xfe: {  	v27 =	vand.u32 $0x7F, v24;
	v25 =	vsub.f32 v8, v7  }
0xff: {  	v12 =	vshrl.u32 v12, $0x17;
	v26 =	vpop (erf);
	v20 =	vsub.f32 v20, v7;
	v13 =	vmul.f32 v13, v16  }
0x100: {  	vm2 =	vmmov vm2;
	v22 =	vsub.f32 v22, v26;
	v25 =	vmul.f32 $1.442695020e+00, v25  }
0x101: {  	v18 =	vadd.f32 $-1.000000000e+00, v18;
	v26 =	vor.u32 v27, v15;
	v15 =	vpop (erf);
	v13 =	vadd.f32 $6.666666860e-01, v13  }
0x102: {  	(erf) = vpow2.f32 v25;
	v15 =	vadd.f32 v15, v22;
	v22 =	vsel vm2, $0x1, v2  }
0x103: {  	v25 =	vmul.f32 $1.442695020e+00, v20;
	v12 =	vadd.s32 v22, v12;
	v20 =	vpop (erf);
	v13 =	vmul.f32 v13, v16  }
0x104: {  	v12 =	vadd.s32 $0xFFFFFF81, v12;
	v16 =	vand.u32 $0x7FFFFF, v15;
	v18 =	vmul.f32 v20, v18  }
0x105: {  	v24 =	vld.idx.msk [tilespmem:v24+s12+$0x0], $0xffff;
	v12 =	vcvt.s32.f32 v12;
	v27 =	vor.u32 $0x3F800000, v16;
	v13 =	vadd.f32 $2.000000000e+00, v13  }
0x106: {  	s16 =	simm.s32 $0x4050;
	vm3 =	vmmov vm3;
	v26 =	vld.idx.msk [tilespmem:v26+s3+$0x0], $0xffff;
	v28 =	vmul.f32 $5.000000000e-01, v27;
	v20 =	vmul.f32 v18, v18  }
0x107: {  	s18 =	simm.s32 $0x41C0;
	v22 =	vld [tilespmem:s16+$0x0];
	vm2 =	vgt.f32 v27, $1.414213540e+00;
	v29 =	vmul.f32 $6.931471820e-01, v12;
	v13 =	vmul.f32 v13, v23  }
0x108: {  	s31 =	simm.s32 $0x50;
	(erf) = vpow2.f32 v25;
	v12 =	vld [tilespmem:s18+$0x0];
	v23 =	vsel vm2, v28, v27;
	v25 =	vmul.f32 $2.222222240e-01, v20  }
0x109: {  	v27 =	vmov s31;
	v28 =	vadd.f32 $1.000000000e+00, v23;
	v29 =	vadd.f32 v13, v29  }
0x10a: {  	s17 =	simm.s32 $0x42B0;
	v16 =	vimm.f32 $0.0e+00;
	v27 =	vshll.u32 v27, $0x7;
	v25 =	vadd.f32 $2.857142980e-01, v25  }
0x10b: {  	s15 =	simm.s32 $0x4080;
	v13 =	vmul.f32 $3.000000000e+01, v26;
	v26 =	vld [tilespmem:s17+$0x0];
	(erf) = vrcp.f32 v28;
	v28 =	vadd.f32 v29, v17  }
0x10c: {  	v30 =	vld [tilespmem:s15+$0x0];
	v27 =	vor.u32 v1, v27;
	v29 =	vand.u32 $0xFFFFFF80, v22;
	v25 =	vmul.f32 v25, v20  }
0x10d: {  	v31 =	vsub.f32 v13, v12;
	v17 =	vmul.f32 $3.000000000e+01, v24;
	v21 =	vsub.f32 v28, v21  }
0x10e: {  	v24 =	vand.u32 $0x7F, v22;
	v27 =	vadd.s32 v27, v29;
	v25 =	vadd.f32 $4.000000060e-01, v25  }
0x10f: {  	v29 =	vmul.f32 $1.442695020e+00, v31;
	v63 =	vsub.f32 v13, v17;
	v28 =	vpop (erf);
	v32 =	vadd.f32 v21, v19  }
0x110: {  	v19 =	vor.u32 v24, v27;
	v25 =	vmul.f32 v25, v20;
	v21 =	vsub.f32 v26, v28  }
0x111: {  	s19 =	simm.s32 $0x60;
	(erf) = vpow2.f32 v29;
	v26 =	vsub.f32 v63, v12;
	v27 =	vpop (erf);
	v24 =	vmul.f32 v32, v30  }
.LBB2_4:
0x112: {  	p0 =	sne.s32 s19, $0x70;
	v28 =	vshrl.u32 v14, $0x17;
	v25 =	vadd.f32 $6.666666860e-01, v25;
	v14 =	vmovc v15;
	v15 =	vadd.f32 v27, v21;
	v27 =	vmovc v9  }
0x113: {  	v21 =	vadd.f32 $-1.000000000e+00, v23;
	v23 =	vsel vm3, $0x1, v2;
	v9 =	vmovc v17;
	v16 =	vadd.f32 v24, v16  }
0x114: {  	v17 =	vmul.f32 $1.442695020e+00, v26;
	v23 =	vadd.s32 v23, v28;
	v24 =	vpop (erf);
	v20 =	vmul.f32 v25, v20  }
0x115: {  	v25 =	vand.u32 $0x7FFFFF, v15;
	v23 =	vadd.s32 $0xFFFFFF81, v23;
	v21 =	vmul.f32 v24, v21  }
0x116: {  	s16 =	sadd.s32 $0x10, s16;
	v24 =	vor.u32 $0x3F800000, v25;
	v23 =	vcvt.s32.f32 v23;
	v19 =	vld.idx.msk [tilespmem:v19+s3+$0x0], $0xffff;
	v25 =	vadd.f32 $2.000000000e+00, v20  }
0x117: {  	vm3 =	vmmov vm2;
	v30 =	vmul.f32 $5.000000000e-01, v24;
	v26 =	vld [tilespmem:s16+$0x0];
	v20 =	vmul.f32 v21, v21  }
0x118: {  	s18 =	sadd.s32 $0x10, s18;
	vm2 =	vgt.f32 v24, $1.414213540e+00;
	v29 =	vld.idx.msk [tilespmem:v22+s12+$0x0], $0xffff;
	v22 =	vmul.f32 $6.931471820e-01, v23;
	v25 =	vmul.f32 v25, v18;
	v18 =	vmovc v21  }
0x119: {  	v23 =	vsel vm2, v30, v24;
	v21 =	vld [tilespmem:s18+$0x0];
	(erf) = vpow2.f32 v17;
	v17 =	vmul.f32 $2.222222240e-01, v20  }
0x11a: {  	v24 =	vmov s19;
	v30 =	vadd.f32 $1.000000000e+00, v23;
	v28 =	vpop (erf);
	v31 =	vadd.f32 v25, v22  }
0x11b: {  	s17 =	sadd.s32 $0x10, s17;
	v24 =	vshll.u32 v24, $0x7;
	v17 =	vadd.f32 $2.857142980e-01, v17  }
0x11c: {  	s15 =	sadd.s32 $0x10, s15;
	v19 =	vmul.f32 $3.000000000e+01, v19;
	v25 =	vld [tilespmem:s17+$0x0];
	(erf) = vrcp.f32 v30;
	v30 =	vadd.f32 v31, v10;
	v22 =	vmovc v26;
	v10 =	vmovc v11  }
0x11d: {  	v24 =	vor.u32 v1, v24;
	v11 =	vmovc v7;
	v7 =	vmovc v12;
	v26 =	vand.u32 $0xFFFFFF80, v22;
	v31 =	vmul.f32 v17, v20;
	v32 =	vld [tilespmem:s15+$0x0]  }
.Ltmp1:
0x11e: {  	v17 =	vmul.f32 $3.000000000e+01, v29;
	v33 =	vsub.f32 v19, v21;
	v29 =	vsub.f32 v30, v6;
	v12 =	vmovc v21;
	v6 =	vmovc v4;
	(pc) =	sbr.rel @p0 .LBB2_4-.Ltmp1, $4  }
0x11f: {  	v21 =	vand.u32 $0x7F, v22;
	v24 =	vadd.s32 v24, v26;
	v4 =	vmovc v8;
	v8 =	vmovc v13;
	v26 =	vadd.f32 $4.000000060e-01, v31  }
0x120: {  	v13 =	vmovc v19;
	v31 =	vsub.f32 v19, v17;
	v30 =	vmul.f32 $1.442695020e+00, v33;
	v29 =	vadd.f32 v29, v5;
	v5 =	vmovc v3  }
0x121: {  	v19 =	vor.u32 v21, v24;
	v3 =	vmovc v27;
	v21 =	vsub.f32 v25, v28;
	v25 =	vmul.f32 v26, v20  }
0x122: {  	s19 =	sadd.s32 $0x10, s19;
	v26 =	vsub.f32 v31, v12;
	(erf) = vpow2.f32 v30;
	v27 =	vpop (erf);
	v24 =	vmul.f32 v29, v32  }
0x123: {  	_ =	sdelay $0x3  }
0x124: {  	v19 =	vld.idx.msk [tilespmem:v19+s3+$0x0], $0xffff  }
0x125: {  	v27 =	vadd.f32 v27, v21;
	v28 =	vld.idx.msk [tilespmem:v22+s12+$0x0], $0xffff  }
0x126: {  	s16 =	sadd.s32 $0x10, s18  }
0x127: {  	v22 =	vld [tilespmem:s16+$0x0];
	v21 =	vand.u32 $0x7FFFFF, v27  }
0x128: {  	v29 =	vor.u32 $0x3F800000, v21  }
0x129: {  	v30 =	vmul.f32 $5.000000000e-01, v29  }
0x12a: {  	v21 =	vmul.f32 $3.000000000e+01, v19;
	v19 =	vmul.f32 $3.000000000e+01, v28  }
0x12b: {  	v26 =	vmul.f32 $1.442695020e+00, v26;
	vm5 =	vgt.f32 v29, $1.414213540e+00  }
0x12c: {  	v62 =	vsel vm5, v30, v29;
	v63 =	vsub.f32 v21, v22;
	v33 =	vsub.f32 v21, v19  }
0x12d: {  	v31 =	vadd.f32 $1.000000000e+00, v62  }
0x12e: {  	(erf) = vpow2.f32 v26;
	v34 =	vmul.f32 $1.442695020e+00, v63;
	v35 =	vsub.f32 v33, v22  }
0x12f: {  	(erf) = vrcp.f32 v31  }
0x130: {  	(erf) = vpow2.f32 v34;
	v36 =	vmul.f32 $1.442695020e+00, v35;
	_ =	sdelay $0x1  }
0x131: {  	s31 =	sadd.s32 $0x10, s17;
	(erf) = vpow2.f32 v36  }
0x132: {  	v37 =	vld [tilespmem:s31+$0x0]  }
0x133: {  	s16 =	sadd.s32 $0x10, s31  }
0x134: {  	v38 =	vpop (erf);
	v40 =	vld [tilespmem:s16+$0x0]  }
0x135: {  	v39 =	vpop (erf)  }
0x136: {  	v41 =	vpop (erf)  }
0x137: {  	v29 =	vsub.f32 v37, v39;
	v42 =	vpop (erf)  }
0x138: {  	v32 =	vpop (erf)  }
0x139: {  	v29 =	vadd.f32 v41, v29;
	v31 =	vsub.f32 v40, v32  }
0x13a: {  	v44 =	vpop (erf)  }
0x13b: {  	v33 =	vand.u32 $0x7FFFFF, v29;
	v31 =	vadd.f32 v44, v31  }
0x13c: {  	v43 =	vor.u32 $0x3F800000, v33  }
0x13d: {  	v34 =	vmul.f32 $5.000000000e-01, v43;
	v46 =	vand.u32 $0x7FFFFF, v31  }
0x13e: {  	vm4 =	vgt.f32 v43, $1.414213540e+00;
	v32 =	vor.u32 $0x3F800000, v46  }
0x13f: {  	v23 =	vadd.f32 $-1.000000000e+00, v23;
	v45 =	vsel vm4, v34, v43;
	v49 =	vmul.f32 $5.000000000e-01, v32  }
0x140: {  	v50 =	vsel vm3, $0x1, v2;
	v47 =	vadd.f32 $1.000000000e+00, v45;
	vm3 =	vgt.f32 v32, $1.414213540e+00  }
0x141: {  	v23 =	vmul.f32 v38, v23;
	v32 =	vsel vm3, v49, v32  }
0x142: {  	(erf) = vrcp.f32 v47;
	v52 =	vadd.f32 $1.000000000e+00, v32  }
0x143: {  	v25 =	vadd.f32 $6.666666860e-01, v25;
	v14 =	vshrl.u32 v14, $0x17;
	v48 =	vmul.f32 v23, v23  }
0x144: {  	vm2 =	vmmov vm2;
	v15 =	vshrl.u32 v15, $0x17;
	(erf) = vrcp.f32 v52  }
0x145: {  	v14 =	vadd.s32 v50, v14;
	v56 =	vsel vm2, $0x1, v2;
	v51 =	vmul.f32 $2.222222240e-01, v48  }
0x146: {  	v16 =	vadd.f32 v24, v16;
	v20 =	vmul.f32 v25, v20;
	v14 =	vadd.s32 $0xFFFFFF81, v14  }
0x147: {  	v15 =	vadd.s32 v56, v15;
	v53 =	vadd.f32 $-1.000000000e+00, v62;
	v34 =	vadd.f32 $2.857142980e-01, v51  }
0x148: {  	v14 =	vcvt.s32.f32 v14;
	v15 =	vadd.s32 $0xFFFFFF81, v15;
	v38 =	vshrl.u32 v27, $0x17  }
0x149: {  	v20 =	vadd.f32 $2.000000000e+00, v20;
	v25 =	vmul.f32 v42, v53;
	v54 =	vmul.f32 v34, v48  }
0x14a: {  	v15 =	vcvt.s32.f32 v15;
	v14 =	vmul.f32 $6.931471820e-01, v14;
	v26 =	vadd.f32 $-1.000000000e+00, v45  }
0x14b: {  	v18 =	vmul.f32 v20, v18;
	v55 =	vmul.f32 v25, v25;
	v20 =	vadd.f32 $4.000000060e-01, v54;
	v58 =	vpop (erf)  }
0x14c: {  	vm2 =	vmmov vm5;
	v32 =	vadd.f32 $-1.000000000e+00, v32;
	v26 =	vmul.f32 v58, v26  }
0x14d: {  	v14 =	vadd.f32 v18, v14;
	v57 =	vmul.f32 $2.222222240e-01, v55;
	v20 =	vmul.f32 v20, v48;
	v62 =	vpop (erf)  }
0x14e: {  	v59 =	vsel vm2, $0x1, v2;
	v61 =	vmul.f32 v26, v26;
	v32 =	vmul.f32 v62, v32  }
0x14f: {  	v39 =	vadd.s32 v59, v38;
	v10 =	vadd.f32 v14, v10;
	v14 =	vadd.f32 $2.857142980e-01, v57  }
0x150: {  	v20 =	vadd.f32 $6.666666860e-01, v20;
	v63 =	vmul.f32 $2.222222240e-01, v61;
	v33 =	vmul.f32 v32, v32  }
0x151: {  	v6 =	vsub.f32 v10, v6;
	vm2 =	vmmov vm4;
	v14 =	vmul.f32 v14, v55  }
0x152: {  	v60 =	vmul.f32 v20, v48;
	v34 =	vadd.f32 $2.857142980e-01, v63;
	v35 =	vmul.f32 $2.222222240e-01, v33  }
0x153: {  	v43 =	vshrl.u32 v29, $0x17;
	v44 =	vsel vm2, $0x1, v2;
	v14 =	vadd.f32 $4.000000060e-01, v14  }
0x154: {  	v10 =	vadd.f32 $2.000000000e+00, v60;
	v37 =	vmul.f32 v34, v61;
	v24 =	vadd.f32 $2.857142980e-01, v35  }
0x155: {  	v36 =	vmul.f32 $6.931471820e-01, v15;
	v18 =	vadd.s32 v44, v43;
	v14 =	vmul.f32 v14, v55  }
0x156: {  	v10 =	vmul.f32 v10, v23;
	v15 =	vadd.f32 $4.000000060e-01, v37;
	v40 =	vmul.f32 v24, v33  }
0x157: {  	v5 =	vadd.f32 v6, v5;
	v18 =	vadd.s32 $0xFFFFFF81, v18;
	v14 =	vadd.f32 $6.666666860e-01, v14  }
0x158: {  	v6 =	vadd.f32 v10, v36;
	v41 =	vmul.f32 v15, v61;
	v42 =	vadd.f32 $4.000000060e-01, v40  }
0x159: {  	v45 =	vshrl.u32 v31, $0x17;
	v14 =	vmul.f32 v14, v55;
	v10 =	vadd.s32 $0xFFFFFF81, v39  }
0x15a: {  	v6 =	vadd.f32 v6, v11;
	v11 =	vadd.f32 $6.666666860e-01, v41;
	v15 =	vmul.f32 v42, v33  }
0x15b: {  	v18 =	vcvt.s32.f32 v18;
	v10 =	vcvt.s32.f32 v10;
	v14 =	vadd.f32 $2.000000000e+00, v14  }
0x15c: {  	vm2 =	vmmov vm3;
	v11 =	vmul.f32 v11, v61;
	v15 =	vadd.f32 $6.666666860e-01, v15  }
0x15d: {  	s15 =	sadd.s32 $0x10, s15;
	v46 =	vsel vm2, $0x1, v2;
	v10 =	vmul.f32 $6.931471820e-01, v10;
	v14 =	vmul.f32 v14, v25  }
0x15e: {  	v47 =	vld [tilespmem:s15+$0x0];
	v20 =	vadd.s32 v46, v45;
	v11 =	vadd.f32 $2.000000000e+00, v11;
	v15 =	vmul.f32 v15, v33  }
0x15f: {  	s15 =	sadd.s32 $0x10, s15;
	v48 =	vmul.f32 $6.931471820e-01, v18;
	v49 =	vadd.s32 $0xFFFFFF81, v20;
	v10 =	vadd.f32 v14, v10  }
0x160: {  	v50 =	vld [tilespmem:s15+$0x0];
	v18 =	vcvt.s32.f32 v49;
	v11 =	vmul.f32 v11, v26;
	v15 =	vadd.f32 $2.000000000e+00, v15  }
0x161: {  	v4 =	vsub.f32 v6, v4;
	v51 =	vadd.f32 v10, v7  }
0x162: {  	s15 =	sadd.s32 $0x10, s15;
	v53 =	vmul.f32 $6.931471820e-01, v18;
	v52 =	vadd.f32 v11, v48;
	v54 =	vmul.f32 v15, v32  }
0x163: {  	v5 =	vmul.f32 v5, v47;
	v55 =	vld [tilespmem:s15+$0x0];
	v3 =	vadd.f32 v4, v3;
	v6 =	vsub.f32 v51, v8  }
0x164: {  	s15 =	sadd.s32 $0x10, s15;
	v7 =	vadd.f32 v52, v12;
	v56 =	vadd.f32 v54, v53  }
0x165: {  	v5 =	vadd.f32 v5, v16;
	v57 =	vld [tilespmem:s15+$0x0];
	v3 =	vmul.f32 v3, v50;
	v6 =	vadd.f32 v6, v9  }
0x166: {  	s15 =	sadd.s32 $0x10, s15;
	v7 =	vsub.f32 v7, v13;
	v8 =	vadd.f32 v56, v22  }
0x167: {  	v58 =	vld [tilespmem:s15+$0x0];
	v3 =	vadd.f32 v3, v5  }
0x168: {  	v4 =	vmul.f32 v6, v55;
	v59 =	vadd.f32 v7, v17;
	v60 =	vsub.f32 v8, v21;
	_ =	sdelay $0x1  }
0x169: {  	v3 =	vadd.f32 v4, v3;
	v61 =	vmul.f32 v59, v57;
	v62 =	vadd.f32 v60, v19;
	_ =	sdelay $0x1  }
0x16a: {  	v3 =	vadd.f32 v61, v3;
	v63 =	vmul.f32 v62, v58;
	_ =	sdelay $0x1  }
0x16b: {  	s14 =	sadd.s32 $0x1, s14;
	v3 =	vadd.f32 v63, v3  }
0x16c: {  	p0 =	sne.s32 s14, s8  }
.Ltmp2:
0x16d: {  	[tilespmem:$0x4380] =	vst v3;
	(pc) =	sbr.rel @p0 .LBB2_1-.Ltmp2, $4  }
0x16e: {  	[hbm4b:s7+s3] =	stream.linear.scatter [tilespmem:s13], [sflag:$0x1], $0x10, $0x38;
	[tilespmem:$0x4400] =	vst v63  }
0x16f: {  	_ =	swait.ge [sflag:s9], $0x10  }
0x170: {  	[sflag:s9] =	ssyncset.done $0x0  }
0x171: {  	[sflag:s9] =	ssyncadd.s32 $0xFFFFFFF0  }
0x172: {  	_ =	sfence.sel $0x180000  }
0x173: {  	[bflag:$0x0] =	sbarrier.arrive $0xFFFF  }
0x174: {  	p0 =	sne.s32 s0, $0x0;
	_ =	strace $0x90000047  }
0x175: {  	s0 =	sadd.s32 @!p0 $0x100000, s1;
	[bflag:$0x2] =	sbarrier.arrive $0xFFFF  }
0x176: {  	[sflag:s0] =	ssyncadd.tile.s32 @!p0 $0x1;
	_ =	shalt  }
.Lfunc_end2:
_tile_overlayer_lowered:
.L_overlay_start_2:
0x177: {  	(tag) =	ssettag $0x2  }
0x178: {  	s0 =	rddreg [dreg:$0x0];
	s2 =	stileid.u32  }
0x179: {  	s1 =	rddreg [dreg:$0x1];
	p0 =	sne.s32 s2, $0x0  }
0x17a: {  	s3 =	rddreg [dreg:$0x2];
	[bflag:$0x3] =	sbarrier.arrive $0xFFFF;
	s2 =	simm.s32 @!p0 $0x1C01  }
0x17b: {  	[timem:s3], [sflag:s2] =	dma.local @!p0 [hbm:s0], s1  }
0x17c: {  	s0 =	simm.s32 @!p0 $0x1  }
0x17d: {  	_ =	swait.ge @!p0 [sflag:s0], s1  }
0x17e: {  	s1 =	ssub.s32 @!p0 $0x0, s1;
	[sflag:s0] =	ssyncset.done @!p0 $0x0  }
0x17f: {  	[sflag:s0] =	ssyncadd.s32 @!p0 s1  }
0x180: {  	[bflag:$0x3] =	sbarrier.arrive $0xFFFF  }
0x181: {  	_ =	shalt  }

</sc_bundles>
